<compile_context>
chip_gen: v7x
topology: tpu7x:2x2x1
jax: 0.10.2.dev20260603
libtpu: 0.0.44.dev20260713+nightly
codegen_flags: <defaults>
</compile_context>

<pallas_src>
import jax
import jax.numpy as jnp
import numpy as np
from jax import lax
from jax.experimental import pallas as pl
from jax.experimental.pallas import tpu as pltpu
from jax.experimental.pallas import tpu_sc as plsc

N_NODES = 10000
N_EDGES = 320000

NC = 2
NS = 16
NW = NC * NS

CHUNK = 125
CPT = 80
QC = CPT // 2
ROWS_PAD = 10112
RPT = ROWS_PAD // NS


def _sc_rows(d_row, with_deg=False):
    mesh = plsc.VectorSubcoreMesh(core_axis_name="c", subcore_axis_name="s",
                                  num_cores=NC, num_subcores=NS)
    part = jax.ShapeDtypeStruct((NC, ROWS_PAD, d_row), jnp.float32)
    out_type = (part, part) if with_deg else part
    scratch = [
        pltpu.VMEM_SHARED((ROWS_PAD, d_row), jnp.float32),
        pltpu.VMEM((QC, CHUNK), jnp.int32),
        pltpu.VMEM((QC, CHUNK), jnp.int32),
    ] + [pltpu.VMEM((CHUNK, d_row), jnp.float32) for _ in range(2)] \
      + [pltpu.SemaphoreType.DMA for _ in range(2)]

    def body(table, srcm, dstm, zrows, *outs_scratch):
        if with_deg:
            out, out_deg = outs_scratch[0], outs_scratch[1]
            agg_sh, src_v, dst_v, buf0, buf1, sg0, sg1 = outs_scratch[2:]
        else:
            out = outs_scratch[0]
            agg_sh, src_v, dst_v, buf0, buf1, sg0, sg1 = outs_scratch[1:]
        c = lax.axis_index("c")
        s = lax.axis_index("s")
        wid = c * NS + s

        def g_start(j, buf, sem):
            pltpu.async_copy(table.at[src_v.at[j]], buf, sem)

        def g_wait(j, buf, sem):
            pltpu.make_async_copy(table.at[src_v.at[j]], buf, sem).wait()

        pltpu.sync_copy(zrows.at[pl.ds(s * RPT, RPT)],
                        agg_sh.at[pl.ds(s * RPT, RPT)])
        plsc.subcore_barrier()

        def half(q):
            pltpu.sync_copy(srcm.at[pl.ds(wid * CPT + q * QC, QC)], src_v)
            pltpu.sync_copy(dstm.at[pl.ds(wid * CPT + q * QC, QC)], dst_v)
            g_start(0, buf0, sg0)
            g_start(1, buf1, sg1)

            def step(g, carry):
                a = 2 * g
                g_wait(a, buf0, sg0)
                pltpu.sync_copy(buf0, agg_sh.at[dst_v.at[a]], add=True)

                @pl.when(a + 2 < QC)
                def _():
                    g_start(a + 2, buf0, sg0)

                g_wait(a + 1, buf1, sg1)
                pltpu.sync_copy(buf1, agg_sh.at[dst_v.at[a + 1]], add=True)

                @pl.when(a + 3 < QC)
                def _():
                    g_start(a + 3, buf1, sg1)

                return carry

            lax.fori_loop(0, QC // 2, step, 0)

        half(0)
        half(1)
        plsc.subcore_barrier()

        pltpu.sync_copy(agg_sh.at[pl.ds(s * RPT, RPT)],
                        out.at[c, pl.ds(s * RPT, RPT)])

        if with_deg:
            pltpu.sync_copy(zrows.at[pl.ds(s * RPT, RPT)],
                            agg_sh.at[pl.ds(s * RPT, RPT)])
            pltpu.sync_copy(zrows.at[pl.ds(ROWS_PAD, CHUNK)], buf0)
            plsc.subcore_barrier()

            def dhalf(q):
                pltpu.sync_copy(dstm.at[pl.ds(wid * CPT + q * QC, QC)],
                                dst_v)

                def dstep(j, carry):
                    pltpu.sync_copy(buf0, agg_sh.at[dst_v.at[j]], add=True)
                    return carry

                lax.fori_loop(0, QC, dstep, 0)

            dhalf(0)
            dhalf(1)
            plsc.subcore_barrier()
            pltpu.sync_copy(agg_sh.at[pl.ds(s * RPT, RPT)],
                            out_deg.at[c, pl.ds(s * RPT, RPT)])

    return pl.kernel(body, out_type=out_type, mesh=mesh,
                     scratch_types=scratch)


_BLK = 2000


def _mid_body(x, p0, deg, ws0, wn0, b0, h_out):
    agg = p0[0] + p0[1]
    inv = 1.0 / jnp.maximum(deg[0] + deg[1], 1.0)
    hp = jnp.dot(x[...], ws0[...], preferred_element_type=jnp.float32)
    hn = jnp.dot(agg * inv, wn0[...], preferred_element_type=jnp.float32)
    h_out[...] = jnp.maximum(hp + hn + b0[...], 0.0)


def _final_body(h, p1, deg, ws1, wn1, b1, out):
    agg = p1[0] + p1[1]
    inv = 1.0 / jnp.maximum(deg[0] + deg[1], 1.0)
    sp = jnp.dot(h[...], ws1[...], preferred_element_type=jnp.float32)
    sn = jnp.dot(agg * inv, wn1[...], preferred_element_type=jnp.float32)
    out[...] = sp + sn + b1[...]


def kernel(features, edge_index, W_self0, W_neigh0, b0, W_self1, W_neigh1, b1):
    n = N_NODES
    srcm = edge_index[0].reshape(-1, CHUNK)
    dstm = edge_index[1].reshape(-1, CHUNK)
    zrows = jnp.asarray(np.concatenate(
        [np.zeros((ROWS_PAD, 128), np.float32),
         np.ones((CHUNK, 128), np.float32)]))

    part0, pdeg = _sc_rows(128, with_deg=True)(features, srcm, dstm, zrows)

    row_spec = pl.BlockSpec((_BLK, 128), lambda i: (i, 0))
    row64_spec = pl.BlockSpec((_BLK, 64), lambda i: (i, 0))
    part_spec = pl.BlockSpec((NC, _BLK, 128), lambda i: (0, i, 0))
    w_spec = pl.BlockSpec((128, 128), lambda i: (0, 0))
    w64_spec = pl.BlockSpec((128, 64), lambda i: (0, 0))
    b_spec = pl.BlockSpec((1, 128), lambda i: (0, 0))
    b64_spec = pl.BlockSpec((1, 64), lambda i: (0, 0))

    h = pl.pallas_call(
        _mid_body,
        grid=(n // _BLK,),
        in_specs=[row_spec, part_spec, part_spec, w_spec, w_spec, b_spec],
        out_specs=row_spec,
        out_shape=jax.ShapeDtypeStruct((n, 128), jnp.float32),
    )(features, part0, pdeg, W_self0, W_neigh0, b0.reshape(1, 128))

    part1 = _sc_rows(128)(h, srcm, dstm, zrows)

    out = pl.pallas_call(
        _final_body,
        grid=(n // _BLK,),
        in_specs=[row_spec, part_spec, part_spec, w64_spec, w64_spec,
                  b64_spec],
        out_specs=row64_spec,
        out_shape=jax.ShapeDtypeStruct((n, 64), jnp.float32),
    )(h, part1, pdeg, W_self1, W_neigh1, b1.reshape(1, 64))
    return out

# --- scband reference (transcript-rebuilt; emitter-appended) ---
"""Pipeline reference for scband-graph-sage-22196390986574 (READ-ONLY COPY).

The authoritative reference and input builder live on the scoring server;
editing this copy changes nothing except your own understanding.
"""

import jax, jax.numpy as jnp
import numpy as np

N = 10000
E = 320000
D_IN = 128
D_HID = 128
D_OUT = 64


def setup_inputs(seed: int = 0) -> dict:
    key = jax.random.key(seed)
    ks = jax.random.split(key, 10)
    x = jax.random.normal(ks[0], (N, D_IN), dtype=jnp.float32)
    edge_index = jax.random.randint(ks[1], (2, E), 0, N, dtype=jnp.int32)
    s0 = 1.0 / np.sqrt(D_IN)
    s1 = 1.0 / np.sqrt(D_HID)
    W_self0 = jax.random.uniform(ks[2], (D_IN, D_HID), jnp.float32, -s0, s0)
    W_neigh0 = jax.random.uniform(ks[3], (D_IN, D_HID), jnp.float32, -s0, s0)
    b0 = jax.random.uniform(ks[4], (D_HID,), jnp.float32, -s0, s0)
    W_self1 = jax.random.uniform(ks[5], (D_HID, D_OUT), jnp.float32, -s1, s1)
    W_neigh1 = jax.random.uniform(ks[6], (D_HID, D_OUT), jnp.float32, -s1, s1)
    b1 = jax.random.uniform(ks[7], (D_OUT,), jnp.float32, -s1, s1)
    return {
        "features": x,
        "edge_index": edge_index,
        "W_self0": W_self0,
        "W_neigh0": W_neigh0,
        "b0": b0,
        "W_self1": W_self1,
        "W_neigh1": W_neigh1,
        "b1": b1,
    }


def _sage_conv(h, edge_index, W_self, W_neigh, b):
    n = h.shape[0]
    src = edge_index[0]
    dst = edge_index[1]
    msgs = jnp.take(h, src, axis=0)
    agg = jax.ops.segment_sum(msgs, dst, num_segments=n)
    deg = jax.ops.segment_sum(jnp.ones((edge_index.shape[1],), jnp.float32), dst, num_segments=n)
    h_neigh = agg / jnp.clip(deg, 1.0, None)[:, None]
    return h @ W_self + h_neigh @ W_neigh + b


def reference(features, edge_index, W_self0, W_neigh0, b0, W_self1, W_neigh1, b1):
    h = _sage_conv(features, edge_index, W_self0, W_neigh0, b0)
    h = jax.nn.relu(h)
    out = _sage_conv(h, edge_index, W_self1, W_neigh1, b1)
    return out

if __name__ == "__main__":
    import jax
    _d = setup_inputs()
    print(jax.jit(kernel)(*tuple(_d.values())))

</pallas_src>

<mosaic_0001>
#map = affine_map<(d0, d1) -> (0, 0)>
#map1 = affine_map<(d0, d1) -> (0, 0, 0)>
module attributes {stable_mosaic.version = 14 : i64} {
  func.func @body(%arg0: i32, %arg1: i32, %arg2: memref<10000x128xf32, #tpu.memory_space<hbm>>, %arg3: memref<2560x125xi32, #tpu.memory_space<hbm>>, %arg4: memref<2560x125xi32, #tpu.memory_space<hbm>>, %arg5: memref<10237x128xf32, #tpu.memory_space<hbm>>, %arg6: memref<2x10112x128xf32, #tpu.memory_space<hbm>>, %arg7: memref<2x10112x128xf32, #tpu.memory_space<hbm>>, %arg8: memref<10112x128xf32, #tpu.memory_space<vmem_shared>>, %arg9: memref<40x125xi32, #tpu.memory_space<vmem>>, %arg10: memref<40x125xi32, #tpu.memory_space<vmem>>, %arg11: memref<125x128xf32, #tpu.memory_space<vmem>>, %arg12: memref<125x128xf32, #tpu.memory_space<vmem>>, %arg13: memref<!tpu.dma_semaphore, #tpu.memory_space<semaphore_mem>>, %arg14: memref<!tpu.dma_semaphore, #tpu.memory_space<semaphore_mem>>) attributes {dimension_semantics = [#tpu.dimension_semantics<core_parallel>, #tpu.dimension_semantics<subcore_parallel>], iteration_bounds = array<i64: 2, 16>, scalar_prefetch = 0 : i64, scratch_operands = 7 : i64, tpu.core_type = #tpu.core_type<sc_vector_subcore>, window_params = [{transform_indices = #map}, {transform_indices = #map}, {transform_indices = #map}, {transform_indices = #map}, {transform_indices = #map1}, {transform_indices = #map1}]} {
    %mul3A = arith.constant 16 : i32
    %mul3A_0 = arith.muli %arg0, %mul3A : i32
    %add3A = arith.addi %mul3A_0, %arg1 : i32
    %mul3A_1 = arith.constant 632 : i32
    %mul3A_2 = arith.muli %arg1, %mul3A_1 : i32
    %mul3A_3 = arith.constant 632 : i32
    %mul3A_4 = arith.muli %arg1, %mul3A_3 : i32
    "tpu.region"() ({
      %run_scoped3A = tpu.sem_alloc : memref<!tpu.dma_semaphore, #tpu.memory_space<semaphore_mem>>
      %dma_start3A_94 = arith.constant 0 : i32
      %dma_start3A_95 = tpu.memref_slice %arg8[%mul3A_4, %dma_start3A_94] : memref<10112x128xf32, #tpu.memory_space<vmem_shared>> -> memref<632x128xf32, #tpu.memory_space<vmem_shared>>
      %dma_start3A_96 = arith.constant 0 : i32
      %dma_start3A_97 = tpu.memref_slice %arg5[%mul3A_2, %dma_start3A_96] : memref<10237x128xf32, #tpu.memory_space<hbm>> -> memref<632x128xf32, #tpu.memory_space<hbm>>
      tpu.enqueue_dma source(%dma_start3A_97 : memref<632x128xf32, #tpu.memory_space<hbm>>) target(%dma_start3A_95 : memref<632x128xf32, #tpu.memory_space<vmem_shared>>) target_semaphore(%run_scoped3A : memref<!tpu.dma_semaphore, #tpu.memory_space<semaphore_mem>>)
      %dma_wait3A = arith.constant 0 : i32
      %dma_wait3A_98 = tpu.memref_slice %arg8[%mul3A_4, %dma_wait3A] : memref<10112x128xf32, #tpu.memory_space<vmem_shared>> -> memref<632x128xf32, #tpu.memory_space<vmem_shared>>
      %dma_wait3A_99 = arith.constant 0 : i32
      %dma_wait3A_100 = tpu.memref_slice %arg5[%mul3A_2, %dma_wait3A_99] : memref<10237x128xf32, #tpu.memory_space<hbm>> -> memref<632x128xf32, #tpu.memory_space<hbm>>
      tpu.wait_dma2 semaphore(%run_scoped3A : memref<!tpu.dma_semaphore, #tpu.memory_space<semaphore_mem>>) src(%dma_wait3A_100 : memref<632x128xf32, #tpu.memory_space<hbm>>) dst(%dma_wait3A_98 : memref<632x128xf32, #tpu.memory_space<vmem_shared>>)
      tpu.yield
    }) : () -> ()
    %barrier3A = arith.constant 0 : index
    tpu.barrier barrier_id(%barrier3A)
    %mul3A_5 = arith.constant 80 : i32
    %mul3A_6 = arith.muli %add3A, %mul3A_5 : i32
    %add3A_7 = arith.constant 0 : i32
    %add3A_8 = arith.addi %mul3A_6, %add3A_7 : i32
    "tpu.region"() ({
      %run_scoped3A = tpu.sem_alloc : memref<!tpu.dma_semaphore, #tpu.memory_space<semaphore_mem>>
      %dma_start3A_94 = arith.constant 0 : i32
      %dma_start3A_95 = tpu.memref_slice %arg3[%add3A_8, %dma_start3A_94] : memref<2560x125xi32, #tpu.memory_space<hbm>> -> memref<40x125xi32, #tpu.memory_space<hbm>>
      %dma_start3A_96 = arith.constant 0 : i32
      %dma_start3A_97 = tpu.memref_slice %arg3[%add3A_8, %dma_start3A_96] : memref<2560x125xi32, #tpu.memory_space<hbm>> -> memref<40x125xi32, #tpu.memory_space<hbm>>
      tpu.enqueue_dma source(%dma_start3A_97 : memref<40x125xi32, #tpu.memory_space<hbm>>) target(%arg9 : memref<40x125xi32, #tpu.memory_space<vmem>>) target_semaphore(%run_scoped3A : memref<!tpu.dma_semaphore, #tpu.memory_space<semaphore_mem>>)
      %dma_wait3A = arith.constant 0 : i32
      %dma_wait3A_98 = tpu.memref_slice %arg3[%add3A_8, %dma_wait3A] : memref<2560x125xi32, #tpu.memory_space<hbm>> -> memref<40x125xi32, #tpu.memory_space<hbm>>
      %dma_wait3A_99 = arith.constant 0 : i32
      %dma_wait3A_100 = tpu.memref_slice %arg3[%add3A_8, %dma_wait3A_99] : memref<2560x125xi32, #tpu.memory_space<hbm>> -> memref<40x125xi32, #tpu.memory_space<hbm>>
      tpu.wait_dma2 semaphore(%run_scoped3A : memref<!tpu.dma_semaphore, #tpu.memory_space<semaphore_mem>>) src(%dma_wait3A_100 : memref<40x125xi32, #tpu.memory_space<hbm>>) dst(%arg9 : memref<40x125xi32, #tpu.memory_space<vmem>>)
      tpu.yield
    }) : () -> ()
    %mul3A_9 = arith.constant 80 : i32
    %mul3A_10 = arith.muli %add3A, %mul3A_9 : i32
    %add3A_11 = arith.constant 0 : i32
    %add3A_12 = arith.addi %mul3A_10, %add3A_11 : i32
    "tpu.region"() ({
      %run_scoped3A = tpu.sem_alloc : memref<!tpu.dma_semaphore, #tpu.memory_space<semaphore_mem>>
      %dma_start3A_94 = arith.constant 0 : i32
      %dma_start3A_95 = tpu.memref_slice %arg4[%add3A_12, %dma_start3A_94] : memref<2560x125xi32, #tpu.memory_space<hbm>> -> memref<40x125xi32, #tpu.memory_space<hbm>>
      %dma_start3A_96 = arith.constant 0 : i32
      %dma_start3A_97 = tpu.memref_slice %arg4[%add3A_12, %dma_start3A_96] : memref<2560x125xi32, #tpu.memory_space<hbm>> -> memref<40x125xi32, #tpu.memory_space<hbm>>
      tpu.enqueue_dma source(%dma_start3A_97 : memref<40x125xi32, #tpu.memory_space<hbm>>) target(%arg10 : memref<40x125xi32, #tpu.memory_space<vmem>>) target_semaphore(%run_scoped3A : memref<!tpu.dma_semaphore, #tpu.memory_space<semaphore_mem>>)
      %dma_wait3A = arith.constant 0 : i32
      %dma_wait3A_98 = tpu.memref_slice %arg4[%add3A_12, %dma_wait3A] : memref<2560x125xi32, #tpu.memory_space<hbm>> -> memref<40x125xi32, #tpu.memory_space<hbm>>
      %dma_wait3A_99 = arith.constant 0 : i32
      %dma_wait3A_100 = tpu.memref_slice %arg4[%add3A_12, %dma_wait3A_99] : memref<2560x125xi32, #tpu.memory_space<hbm>> -> memref<40x125xi32, #tpu.memory_space<hbm>>
      tpu.wait_dma2 semaphore(%run_scoped3A : memref<!tpu.dma_semaphore, #tpu.memory_space<semaphore_mem>>) src(%dma_wait3A_100 : memref<40x125xi32, #tpu.memory_space<hbm>>) dst(%arg10 : memref<40x125xi32, #tpu.memory_space<vmem>>)
      tpu.yield
    }) : () -> ()
    %dma_start3A = arith.constant 0 : i32
    %dma_start3A_13 = arith.constant 0 : i32
    %dma_start3A_14 = tpu.memref_slice %arg9[%dma_start3A, %dma_start3A_13] : memref<40x125xi32, #tpu.memory_space<vmem>> -> memref<1x125xi32, #tpu.memory_space<vmem>>
    %dma_start3A_15 = tpu.memref_squeeze %dma_start3A_14 : memref<1x125xi32, #tpu.memory_space<vmem>> -> memref<125xi32, #tpu.memory_space<vmem>>
    %dma_start3A_16 = arith.constant 0 : i32
    %dma_start3A_17 = arith.constant 0 : i32
    %dma_start3A_18 = tpu.memref_slice %arg2[%dma_start3A_16, %dma_start3A_17] : memref<10000x128xf32, #tpu.memory_space<hbm>> -> memref<10000x128xf32, #tpu.memory_space<hbm>>
    tpu.enqueue_indirect_dma source(%dma_start3A_18 : memref<10000x128xf32, #tpu.memory_space<hbm>>) target(%arg11 : memref<125x128xf32, #tpu.memory_space<vmem>>) offsets(%dma_start3A_15 : memref<125xi32, #tpu.memory_space<vmem>>) semaphore(%arg13 : memref<!tpu.dma_semaphore, #tpu.memory_space<semaphore_mem>>)
    %dma_start3A_19 = arith.constant 1 : i32
    %dma_start3A_20 = arith.constant 0 : i32
    %dma_start3A_21 = tpu.memref_slice %arg9[%dma_start3A_19, %dma_start3A_20] : memref<40x125xi32, #tpu.memory_space<vmem>> -> memref<1x125xi32, #tpu.memory_space<vmem>>
    %dma_start3A_22 = tpu.memref_squeeze %dma_start3A_21 : memref<1x125xi32, #tpu.memory_space<vmem>> -> memref<125xi32, #tpu.memory_space<vmem>>
    %dma_start3A_23 = arith.constant 0 : i32
    %dma_start3A_24 = arith.constant 0 : i32
    %dma_start3A_25 = tpu.memref_slice %arg2[%dma_start3A_23, %dma_start3A_24] : memref<10000x128xf32, #tpu.memory_space<hbm>> -> memref<10000x128xf32, #tpu.memory_space<hbm>>
    tpu.enqueue_indirect_dma source(%dma_start3A_25 : memref<10000x128xf32, #tpu.memory_space<hbm>>) target(%arg12 : memref<125x128xf32, #tpu.memory_space<vmem>>) offsets(%dma_start3A_22 : memref<125xi32, #tpu.memory_space<vmem>>) semaphore(%arg14 : memref<!tpu.dma_semaphore, #tpu.memory_space<semaphore_mem>>)
    %scan3A = arith.constant 0 : i32
    %scan3A_26 = arith.constant 0 : i32
    %scan3A_27 = arith.constant 20 : i32
    %scan3A_28 = arith.addi %scan3A_26, %scan3A_27 : i32
    %scan3A_29 = arith.constant 1 : i32
    scf.for %scan3A_94 = %scan3A_26 to %scan3A_28 step %scan3A_29  : i32 {
      %mul3A_95 = arith.constant 2 : i32
      %mul3A_96 = arith.muli %mul3A_95, %scan3A_94 : i32
      %dma_wait3A = arith.constant 0 : i32
      %dma_wait3A_97 = tpu.memref_slice %arg9[%mul3A_96, %dma_wait3A] : memref<40x125xi32, #tpu.memory_space<vmem>> -> memref<1x125xi32, #tpu.memory_space<vmem>>
      %dma_wait3A_98 = tpu.memref_squeeze %dma_wait3A_97 : memref<1x125xi32, #tpu.memory_space<vmem>> -> memref<125xi32, #tpu.memory_space<vmem>>
      %dma_wait3A_99 = arith.constant 0 : i32
      %dma_wait3A_100 = arith.constant 0 : i32
      %dma_wait3A_101 = tpu.memref_slice %arg2[%dma_wait3A_99, %dma_wait3A_100] : memref<10000x128xf32, #tpu.memory_space<hbm>> -> memref<10000x128xf32, #tpu.memory_space<hbm>>
      tpu.wait_indirect_dma semaphore(%arg13 : memref<!tpu.dma_semaphore, #tpu.memory_space<semaphore_mem>>) src(%dma_wait3A_101 : memref<10000x128xf32, #tpu.memory_space<hbm>>) dst(%arg11 : memref<125x128xf32, #tpu.memory_space<vmem>>)
      "tpu.region"() ({
        %run_scoped3A = tpu.sem_alloc : memref<!tpu.dma_semaphore, #tpu.memory_space<semaphore_mem>>
        %dma_start3A_123 = arith.constant 0 : i32
        %dma_start3A_124 = tpu.memref_slice %arg10[%mul3A_96, %dma_start3A_123] : memref<40x125xi32, #tpu.memory_space<vmem>> -> memref<1x125xi32, #tpu.memory_space<vmem>>
        %dma_start3A_125 = tpu.memref_squeeze %dma_start3A_124 : memref<1x125xi32, #tpu.memory_space<vmem>> -> memref<125xi32, #tpu.memory_space<vmem>>
        %dma_start3A_126 = arith.constant 0 : i32
        %dma_start3A_127 = arith.constant 0 : i32
        %dma_start3A_128 = tpu.memref_slice %arg8[%dma_start3A_126, %dma_start3A_127] : memref<10112x128xf32, #tpu.memory_space<vmem_shared>> -> memref<10112x128xf32, #tpu.memory_space<vmem_shared>>
        tpu.enqueue_indirect_dma source(%arg11 : memref<125x128xf32, #tpu.memory_space<vmem>>) target(%dma_start3A_128 : memref<10112x128xf32, #tpu.memory_space<vmem_shared>>) offsets(%dma_start3A_125 : memref<125xi32, #tpu.memory_space<vmem>>) semaphore(%run_scoped3A : memref<!tpu.dma_semaphore, #tpu.memory_space<semaphore_mem>>) {add = true}
        %dma_wait3A_129 = arith.constant 0 : i32
        %dma_wait3A_130 = tpu.memref_slice %arg10[%mul3A_96, %dma_wait3A_129] : memref<40x125xi32, #tpu.memory_space<vmem>> -> memref<1x125xi32, #tpu.memory_space<vmem>>
        %dma_wait3A_131 = tpu.memref_squeeze %dma_wait3A_130 : memref<1x125xi32, #tpu.memory_space<vmem>> -> memref<125xi32, #tpu.memory_space<vmem>>
        %dma_wait3A_132 = arith.constant 0 : i32
        %dma_wait3A_133 = arith.constant 0 : i32
        %dma_wait3A_134 = tpu.memref_slice %arg8[%dma_wait3A_132, %dma_wait3A_133] : memref<10112x128xf32, #tpu.memory_space<vmem_shared>> -> memref<10112x128xf32, #tpu.memory_space<vmem_shared>>
        tpu.wait_indirect_dma semaphore(%run_scoped3A : memref<!tpu.dma_semaphore, #tpu.memory_space<semaphore_mem>>) src(%arg11 : memref<125x128xf32, #tpu.memory_space<vmem>>) dst(%dma_wait3A_134 : memref<10112x128xf32, #tpu.memory_space<vmem_shared>>)
        tpu.yield
      }) : () -> ()
      %add3A_102 = arith.constant 2 : i32
      %add3A_103 = arith.addi %mul3A_96, %add3A_102 : i32
      %lt3A = arith.constant 40 : i32
      %lt3A_104 = arith.cmpi slt, %add3A_103, %lt3A : i32
      %convert_element_type3A = arith.extui %lt3A_104 : i1 to i32
      %cond3A = arith.constant 0 : i32
      %cond3A_105 = arith.cmpi ne, %convert_element_type3A, %cond3A : i32
      scf.if %cond3A_105 {
        %add3A_123 = arith.constant 2 : i32
        %add3A_124 = arith.addi %mul3A_96, %add3A_123 : i32
        %dma_start3A_125 = arith.constant 0 : i32
        %dma_start3A_126 = tpu.memref_slice %arg9[%add3A_124, %dma_start3A_125] : memref<40x125xi32, #tpu.memory_space<vmem>> -> memref<1x125xi32, #tpu.memory_space<vmem>>
        %dma_start3A_127 = tpu.memref_squeeze %dma_start3A_126 : memref<1x125xi32, #tpu.memory_space<vmem>> -> memref<125xi32, #tpu.memory_space<vmem>>
        %dma_start3A_128 = arith.constant 0 : i32
        %dma_start3A_129 = arith.constant 0 : i32
        %dma_start3A_130 = tpu.memref_slice %arg2[%dma_start3A_128, %dma_start3A_129] : memref<10000x128xf32, #tpu.memory_space<hbm>> -> memref<10000x128xf32, #tpu.memory_space<hbm>>
        tpu.enqueue_indirect_dma source(%dma_start3A_130 : memref<10000x128xf32, #tpu.memory_space<hbm>>) target(%arg11 : memref<125x128xf32, #tpu.memory_space<vmem>>) offsets(%dma_start3A_127 : memref<125xi32, #tpu.memory_space<vmem>>) semaphore(%arg13 : memref<!tpu.dma_semaphore, #tpu.memory_space<semaphore_mem>>)
      } else {
      }
      %add3A_106 = arith.constant 1 : i32
      %add3A_107 = arith.addi %mul3A_96, %add3A_106 : i32
      %dma_wait3A_108 = arith.constant 0 : i32
      %dma_wait3A_109 = tpu.memref_slice %arg9[%add3A_107, %dma_wait3A_108] : memref<40x125xi32, #tpu.memory_space<vmem>> -> memref<1x125xi32, #tpu.memory_space<vmem>>
      %dma_wait3A_110 = tpu.memref_squeeze %dma_wait3A_109 : memref<1x125xi32, #tpu.memory_space<vmem>> -> memref<125xi32, #tpu.memory_space<vmem>>
      %dma_wait3A_111 = arith.constant 0 : i32
      %dma_wait3A_112 = arith.constant 0 : i32
      %dma_wait3A_113 = tpu.memref_slice %arg2[%dma_wait3A_111, %dma_wait3A_112] : memref<10000x128xf32, #tpu.memory_space<hbm>> -> memref<10000x128xf32, #tpu.memory_space<hbm>>
      tpu.wait_indirect_dma semaphore(%arg14 : memref<!tpu.dma_semaphore, #tpu.memory_space<semaphore_mem>>) src(%dma_wait3A_113 : memref<10000x128xf32, #tpu.memory_space<hbm>>) dst(%arg12 : memref<125x128xf32, #tpu.memory_space<vmem>>)
      %add3A_114 = arith.constant 1 : i32
      %add3A_115 = arith.addi %mul3A_96, %add3A_114 : i32
      "tpu.region"() ({
        %run_scoped3A = tpu.sem_alloc : memref<!tpu.dma_semaphore, #tpu.memory_space<semaphore_mem>>
        %dma_start3A_123 = arith.constant 0 : i32
        %dma_start3A_124 = tpu.memref_slice %arg10[%add3A_115, %dma_start3A_123] : memref<40x125xi32, #tpu.memory_space<vmem>> -> memref<1x125xi32, #tpu.memory_space<vmem>>
        %dma_start3A_125 = tpu.memref_squeeze %dma_start3A_124 : memref<1x125xi32, #tpu.memory_space<vmem>> -> memref<125xi32, #tpu.memory_space<vmem>>
        %dma_start3A_126 = arith.constant 0 : i32
        %dma_start3A_127 = arith.constant 0 : i32
        %dma_start3A_128 = tpu.memref_slice %arg8[%dma_start3A_126, %dma_start3A_127] : memref<10112x128xf32, #tpu.memory_space<vmem_shared>> -> memref<10112x128xf32, #tpu.memory_space<vmem_shared>>
        tpu.enqueue_indirect_dma source(%arg12 : memref<125x128xf32, #tpu.memory_space<vmem>>) target(%dma_start3A_128 : memref<10112x128xf32, #tpu.memory_space<vmem_shared>>) offsets(%dma_start3A_125 : memref<125xi32, #tpu.memory_space<vmem>>) semaphore(%run_scoped3A : memref<!tpu.dma_semaphore, #tpu.memory_space<semaphore_mem>>) {add = true}
        %dma_wait3A_129 = arith.constant 0 : i32
        %dma_wait3A_130 = tpu.memref_slice %arg10[%add3A_115, %dma_wait3A_129] : memref<40x125xi32, #tpu.memory_space<vmem>> -> memref<1x125xi32, #tpu.memory_space<vmem>>
        %dma_wait3A_131 = tpu.memref_squeeze %dma_wait3A_130 : memref<1x125xi32, #tpu.memory_space<vmem>> -> memref<125xi32, #tpu.memory_space<vmem>>
        %dma_wait3A_132 = arith.constant 0 : i32
        %dma_wait3A_133 = arith.constant 0 : i32
        %dma_wait3A_134 = tpu.memref_slice %arg8[%dma_wait3A_132, %dma_wait3A_133] : memref<10112x128xf32, #tpu.memory_space<vmem_shared>> -> memref<10112x128xf32, #tpu.memory_space<vmem_shared>>
        tpu.wait_indirect_dma semaphore(%run_scoped3A : memref<!tpu.dma_semaphore, #tpu.memory_space<semaphore_mem>>) src(%arg12 : memref<125x128xf32, #tpu.memory_space<vmem>>) dst(%dma_wait3A_134 : memref<10112x128xf32, #tpu.memory_space<vmem_shared>>)
        tpu.yield
      }) : () -> ()
      %add3A_116 = arith.constant 3 : i32
      %add3A_117 = arith.addi %mul3A_96, %add3A_116 : i32
      %lt3A_118 = arith.constant 40 : i32
      %lt3A_119 = arith.cmpi slt, %add3A_117, %lt3A_118 : i32
      %convert_element_type3A_120 = arith.extui %lt3A_119 : i1 to i32
      %cond3A_121 = arith.constant 0 : i32
      %cond3A_122 = arith.cmpi ne, %convert_element_type3A_120, %cond3A_121 : i32
      scf.if %cond3A_122 {
        %add3A_123 = arith.constant 3 : i32
        %add3A_124 = arith.addi %mul3A_96, %add3A_123 : i32
        %dma_start3A_125 = arith.constant 0 : i32
        %dma_start3A_126 = tpu.memref_slice %arg9[%add3A_124, %dma_start3A_125] : memref<40x125xi32, #tpu.memory_space<vmem>> -> memref<1x125xi32, #tpu.memory_space<vmem>>
        %dma_start3A_127 = tpu.memref_squeeze %dma_start3A_126 : memref<1x125xi32, #tpu.memory_space<vmem>> -> memref<125xi32, #tpu.memory_space<vmem>>
        %dma_start3A_128 = arith.constant 0 : i32
        %dma_start3A_129 = arith.constant 0 : i32
        %dma_start3A_130 = tpu.memref_slice %arg2[%dma_start3A_128, %dma_start3A_129] : memref<10000x128xf32, #tpu.memory_space<hbm>> -> memref<10000x128xf32, #tpu.memory_space<hbm>>
        tpu.enqueue_indirect_dma source(%dma_start3A_130 : memref<10000x128xf32, #tpu.memory_space<hbm>>) target(%arg12 : memref<125x128xf32, #tpu.memory_space<vmem>>) offsets(%dma_start3A_127 : memref<125xi32, #tpu.memory_space<vmem>>) semaphore(%arg14 : memref<!tpu.dma_semaphore, #tpu.memory_space<semaphore_mem>>)
      } else {
      }
    }
    %scan3A_30 = arith.constant 20 : i32
    %mul3A_31 = arith.constant 80 : i32
    %mul3A_32 = arith.muli %add3A, %mul3A_31 : i32
    %add3A_33 = arith.constant 40 : i32
    %add3A_34 = arith.addi %mul3A_32, %add3A_33 : i32
    "tpu.region"() ({
      %run_scoped3A = tpu.sem_alloc : memref<!tpu.dma_semaphore, #tpu.memory_space<semaphore_mem>>
      %dma_start3A_94 = arith.constant 0 : i32
      %dma_start3A_95 = tpu.memref_slice %arg3[%add3A_34, %dma_start3A_94] : memref<2560x125xi32, #tpu.memory_space<hbm>> -> memref<40x125xi32, #tpu.memory_space<hbm>>
      %dma_start3A_96 = arith.constant 0 : i32
      %dma_start3A_97 = tpu.memref_slice %arg3[%add3A_34, %dma_start3A_96] : memref<2560x125xi32, #tpu.memory_space<hbm>> -> memref<40x125xi32, #tpu.memory_space<hbm>>
      tpu.enqueue_dma source(%dma_start3A_97 : memref<40x125xi32, #tpu.memory_space<hbm>>) target(%arg9 : memref<40x125xi32, #tpu.memory_space<vmem>>) target_semaphore(%run_scoped3A : memref<!tpu.dma_semaphore, #tpu.memory_space<semaphore_mem>>)
      %dma_wait3A = arith.constant 0 : i32
      %dma_wait3A_98 = tpu.memref_slice %arg3[%add3A_34, %dma_wait3A] : memref<2560x125xi32, #tpu.memory_space<hbm>> -> memref<40x125xi32, #tpu.memory_space<hbm>>
      %dma_wait3A_99 = arith.constant 0 : i32
      %dma_wait3A_100 = tpu.memref_slice %arg3[%add3A_34, %dma_wait3A_99] : memref<2560x125xi32, #tpu.memory_space<hbm>> -> memref<40x125xi32, #tpu.memory_space<hbm>>
      tpu.wait_dma2 semaphore(%run_scoped3A : memref<!tpu.dma_semaphore, #tpu.memory_space<semaphore_mem>>) src(%dma_wait3A_100 : memref<40x125xi32, #tpu.memory_space<hbm>>) dst(%arg9 : memref<40x125xi32, #tpu.memory_space<vmem>>)
      tpu.yield
    }) : () -> ()
    %mul3A_35 = arith.constant 80 : i32
    %mul3A_36 = arith.muli %add3A, %mul3A_35 : i32
    %add3A_37 = arith.constant 40 : i32
    %add3A_38 = arith.addi %mul3A_36, %add3A_37 : i32
    "tpu.region"() ({
      %run_scoped3A = tpu.sem_alloc : memref<!tpu.dma_semaphore, #tpu.memory_space<semaphore_mem>>
      %dma_start3A_94 = arith.constant 0 : i32
      %dma_start3A_95 = tpu.memref_slice %arg4[%add3A_38, %dma_start3A_94] : memref<2560x125xi32, #tpu.memory_space<hbm>> -> memref<40x125xi32, #tpu.memory_space<hbm>>
      %dma_start3A_96 = arith.constant 0 : i32
      %dma_start3A_97 = tpu.memref_slice %arg4[%add3A_38, %dma_start3A_96] : memref<2560x125xi32, #tpu.memory_space<hbm>> -> memref<40x125xi32, #tpu.memory_space<hbm>>
      tpu.enqueue_dma source(%dma_start3A_97 : memref<40x125xi32, #tpu.memory_space<hbm>>) target(%arg10 : memref<40x125xi32, #tpu.memory_space<vmem>>) target_semaphore(%run_scoped3A : memref<!tpu.dma_semaphore, #tpu.memory_space<semaphore_mem>>)
      %dma_wait3A = arith.constant 0 : i32
      %dma_wait3A_98 = tpu.memref_slice %arg4[%add3A_38, %dma_wait3A] : memref<2560x125xi32, #tpu.memory_space<hbm>> -> memref<40x125xi32, #tpu.memory_space<hbm>>
      %dma_wait3A_99 = arith.constant 0 : i32
      %dma_wait3A_100 = tpu.memref_slice %arg4[%add3A_38, %dma_wait3A_99] : memref<2560x125xi32, #tpu.memory_space<hbm>> -> memref<40x125xi32, #tpu.memory_space<hbm>>
      tpu.wait_dma2 semaphore(%run_scoped3A : memref<!tpu.dma_semaphore, #tpu.memory_space<semaphore_mem>>) src(%dma_wait3A_100 : memref<40x125xi32, #tpu.memory_space<hbm>>) dst(%arg10 : memref<40x125xi32, #tpu.memory_space<vmem>>)
      tpu.yield
    }) : () -> ()
    %dma_start3A_39 = arith.constant 0 : i32
    %dma_start3A_40 = arith.constant 0 : i32
    %dma_start3A_41 = tpu.memref_slice %arg9[%dma_start3A_39, %dma_start3A_40] : memref<40x125xi32, #tpu.memory_space<vmem>> -> memref<1x125xi32, #tpu.memory_space<vmem>>
    %dma_start3A_42 = tpu.memref_squeeze %dma_start3A_41 : memref<1x125xi32, #tpu.memory_space<vmem>> -> memref<125xi32, #tpu.memory_space<vmem>>
    %dma_start3A_43 = arith.constant 0 : i32
    %dma_start3A_44 = arith.constant 0 : i32
    %dma_start3A_45 = tpu.memref_slice %arg2[%dma_start3A_43, %dma_start3A_44] : memref<10000x128xf32, #tpu.memory_space<hbm>> -> memref<10000x128xf32, #tpu.memory_space<hbm>>
    tpu.enqueue_indirect_dma source(%dma_start3A_45 : memref<10000x128xf32, #tpu.memory_space<hbm>>) target(%arg11 : memref<125x128xf32, #tpu.memory_space<vmem>>) offsets(%dma_start3A_42 : memref<125xi32, #tpu.memory_space<vmem>>) semaphore(%arg13 : memref<!tpu.dma_semaphore, #tpu.memory_space<semaphore_mem>>)
    %dma_start3A_46 = arith.constant 1 : i32
    %dma_start3A_47 = arith.constant 0 : i32
    %dma_start3A_48 = tpu.memref_slice %arg9[%dma_start3A_46, %dma_start3A_47] : memref<40x125xi32, #tpu.memory_space<vmem>> -> memref<1x125xi32, #tpu.memory_space<vmem>>
    %dma_start3A_49 = tpu.memref_squeeze %dma_start3A_48 : memref<1x125xi32, #tpu.memory_space<vmem>> -> memref<125xi32, #tpu.memory_space<vmem>>
    %dma_start3A_50 = arith.constant 0 : i32
    %dma_start3A_51 = arith.constant 0 : i32
    %dma_start3A_52 = tpu.memref_slice %arg2[%dma_start3A_50, %dma_start3A_51] : memref<10000x128xf32, #tpu.memory_space<hbm>> -> memref<10000x128xf32, #tpu.memory_space<hbm>>
    tpu.enqueue_indirect_dma source(%dma_start3A_52 : memref<10000x128xf32, #tpu.memory_space<hbm>>) target(%arg12 : memref<125x128xf32, #tpu.memory_space<vmem>>) offsets(%dma_start3A_49 : memref<125xi32, #tpu.memory_space<vmem>>) semaphore(%arg14 : memref<!tpu.dma_semaphore, #tpu.memory_space<semaphore_mem>>)
    %scan3A_53 = arith.constant 0 : i32
    %scan3A_54 = arith.constant 0 : i32
    %scan3A_55 = arith.constant 20 : i32
    %scan3A_56 = arith.addi %scan3A_54, %scan3A_55 : i32
    %scan3A_57 = arith.constant 1 : i32
    scf.for %scan3A_94 = %scan3A_54 to %scan3A_56 step %scan3A_57  : i32 {
      %mul3A_95 = arith.constant 2 : i32
      %mul3A_96 = arith.muli %mul3A_95, %scan3A_94 : i32
      %dma_wait3A = arith.constant 0 : i32
      %dma_wait3A_97 = tpu.memref_slice %arg9[%mul3A_96, %dma_wait3A] : memref<40x125xi32, #tpu.memory_space<vmem>> -> memref<1x125xi32, #tpu.memory_space<vmem>>
      %dma_wait3A_98 = tpu.memref_squeeze %dma_wait3A_97 : memref<1x125xi32, #tpu.memory_space<vmem>> -> memref<125xi32, #tpu.memory_space<vmem>>
      %dma_wait3A_99 = arith.constant 0 : i32
      %dma_wait3A_100 = arith.constant 0 : i32
      %dma_wait3A_101 = tpu.memref_slice %arg2[%dma_wait3A_99, %dma_wait3A_100] : memref<10000x128xf32, #tpu.memory_space<hbm>> -> memref<10000x128xf32, #tpu.memory_space<hbm>>
      tpu.wait_indirect_dma semaphore(%arg13 : memref<!tpu.dma_semaphore, #tpu.memory_space<semaphore_mem>>) src(%dma_wait3A_101 : memref<10000x128xf32, #tpu.memory_space<hbm>>) dst(%arg11 : memref<125x128xf32, #tpu.memory_space<vmem>>)
      "tpu.region"() ({
        %run_scoped3A = tpu.sem_alloc : memref<!tpu.dma_semaphore, #tpu.memory_space<semaphore_mem>>
        %dma_start3A_123 = arith.constant 0 : i32
        %dma_start3A_124 = tpu.memref_slice %arg10[%mul3A_96, %dma_start3A_123] : memref<40x125xi32, #tpu.memory_space<vmem>> -> memref<1x125xi32, #tpu.memory_space<vmem>>
        %dma_start3A_125 = tpu.memref_squeeze %dma_start3A_124 : memref<1x125xi32, #tpu.memory_space<vmem>> -> memref<125xi32, #tpu.memory_space<vmem>>
        %dma_start3A_126 = arith.constant 0 : i32
        %dma_start3A_127 = arith.constant 0 : i32
        %dma_start3A_128 = tpu.memref_slice %arg8[%dma_start3A_126, %dma_start3A_127] : memref<10112x128xf32, #tpu.memory_space<vmem_shared>> -> memref<10112x128xf32, #tpu.memory_space<vmem_shared>>
        tpu.enqueue_indirect_dma source(%arg11 : memref<125x128xf32, #tpu.memory_space<vmem>>) target(%dma_start3A_128 : memref<10112x128xf32, #tpu.memory_space<vmem_shared>>) offsets(%dma_start3A_125 : memref<125xi32, #tpu.memory_space<vmem>>) semaphore(%run_scoped3A : memref<!tpu.dma_semaphore, #tpu.memory_space<semaphore_mem>>) {add = true}
        %dma_wait3A_129 = arith.constant 0 : i32
        %dma_wait3A_130 = tpu.memref_slice %arg10[%mul3A_96, %dma_wait3A_129] : memref<40x125xi32, #tpu.memory_space<vmem>> -> memref<1x125xi32, #tpu.memory_space<vmem>>
        %dma_wait3A_131 = tpu.memref_squeeze %dma_wait3A_130 : memref<1x125xi32, #tpu.memory_space<vmem>> -> memref<125xi32, #tpu.memory_space<vmem>>
        %dma_wait3A_132 = arith.constant 0 : i32
        %dma_wait3A_133 = arith.constant 0 : i32
        %dma_wait3A_134 = tpu.memref_slice %arg8[%dma_wait3A_132, %dma_wait3A_133] : memref<10112x128xf32, #tpu.memory_space<vmem_shared>> -> memref<10112x128xf32, #tpu.memory_space<vmem_shared>>
        tpu.wait_indirect_dma semaphore(%run_scoped3A : memref<!tpu.dma_semaphore, #tpu.memory_space<semaphore_mem>>) src(%arg11 : memref<125x128xf32, #tpu.memory_space<vmem>>) dst(%dma_wait3A_134 : memref<10112x128xf32, #tpu.memory_space<vmem_shared>>)
        tpu.yield
      }) : () -> ()
      %add3A_102 = arith.constant 2 : i32
      %add3A_103 = arith.addi %mul3A_96, %add3A_102 : i32
      %lt3A = arith.constant 40 : i32
      %lt3A_104 = arith.cmpi slt, %add3A_103, %lt3A : i32
      %convert_element_type3A = arith.extui %lt3A_104 : i1 to i32
      %cond3A = arith.constant 0 : i32
      %cond3A_105 = arith.cmpi ne, %convert_element_type3A, %cond3A : i32
      scf.if %cond3A_105 {
        %add3A_123 = arith.constant 2 : i32
        %add3A_124 = arith.addi %mul3A_96, %add3A_123 : i32
        %dma_start3A_125 = arith.constant 0 : i32
        %dma_start3A_126 = tpu.memref_slice %arg9[%add3A_124, %dma_start3A_125] : memref<40x125xi32, #tpu.memory_space<vmem>> -> memref<1x125xi32, #tpu.memory_space<vmem>>
        %dma_start3A_127 = tpu.memref_squeeze %dma_start3A_126 : memref<1x125xi32, #tpu.memory_space<vmem>> -> memref<125xi32, #tpu.memory_space<vmem>>
        %dma_start3A_128 = arith.constant 0 : i32
        %dma_start3A_129 = arith.constant 0 : i32
        %dma_start3A_130 = tpu.memref_slice %arg2[%dma_start3A_128, %dma_start3A_129] : memref<10000x128xf32, #tpu.memory_space<hbm>> -> memref<10000x128xf32, #tpu.memory_space<hbm>>
        tpu.enqueue_indirect_dma source(%dma_start3A_130 : memref<10000x128xf32, #tpu.memory_space<hbm>>) target(%arg11 : memref<125x128xf32, #tpu.memory_space<vmem>>) offsets(%dma_start3A_127 : memref<125xi32, #tpu.memory_space<vmem>>) semaphore(%arg13 : memref<!tpu.dma_semaphore, #tpu.memory_space<semaphore_mem>>)
      } else {
      }
      %add3A_106 = arith.constant 1 : i32
      %add3A_107 = arith.addi %mul3A_96, %add3A_106 : i32
      %dma_wait3A_108 = arith.constant 0 : i32
      %dma_wait3A_109 = tpu.memref_slice %arg9[%add3A_107, %dma_wait3A_108] : memref<40x125xi32, #tpu.memory_space<vmem>> -> memref<1x125xi32, #tpu.memory_space<vmem>>
      %dma_wait3A_110 = tpu.memref_squeeze %dma_wait3A_109 : memref<1x125xi32, #tpu.memory_space<vmem>> -> memref<125xi32, #tpu.memory_space<vmem>>
      %dma_wait3A_111 = arith.constant 0 : i32
      %dma_wait3A_112 = arith.constant 0 : i32
      %dma_wait3A_113 = tpu.memref_slice %arg2[%dma_wait3A_111, %dma_wait3A_112] : memref<10000x128xf32, #tpu.memory_space<hbm>> -> memref<10000x128xf32, #tpu.memory_space<hbm>>
      tpu.wait_indirect_dma semaphore(%arg14 : memref<!tpu.dma_semaphore, #tpu.memory_space<semaphore_mem>>) src(%dma_wait3A_113 : memref<10000x128xf32, #tpu.memory_space<hbm>>) dst(%arg12 : memref<125x128xf32, #tpu.memory_space<vmem>>)
      %add3A_114 = arith.constant 1 : i32
      %add3A_115 = arith.addi %mul3A_96, %add3A_114 : i32
      "tpu.region"() ({
        %run_scoped3A = tpu.sem_alloc : memref<!tpu.dma_semaphore, #tpu.memory_space<semaphore_mem>>
        %dma_start3A_123 = arith.constant 0 : i32
        %dma_start3A_124 = tpu.memref_slice %arg10[%add3A_115, %dma_start3A_123] : memref<40x125xi32, #tpu.memory_space<vmem>> -> memref<1x125xi32, #tpu.memory_space<vmem>>
        %dma_start3A_125 = tpu.memref_squeeze %dma_start3A_124 : memref<1x125xi32, #tpu.memory_space<vmem>> -> memref<125xi32, #tpu.memory_space<vmem>>
        %dma_start3A_126 = arith.constant 0 : i32
        %dma_start3A_127 = arith.constant 0 : i32
        %dma_start3A_128 = tpu.memref_slice %arg8[%dma_start3A_126, %dma_start3A_127] : memref<10112x128xf32, #tpu.memory_space<vmem_shared>> -> memref<10112x128xf32, #tpu.memory_space<vmem_shared>>
        tpu.enqueue_indirect_dma source(%arg12 : memref<125x128xf32, #tpu.memory_space<vmem>>) target(%dma_start3A_128 : memref<10112x128xf32, #tpu.memory_space<vmem_shared>>) offsets(%dma_start3A_125 : memref<125xi32, #tpu.memory_space<vmem>>) semaphore(%run_scoped3A : memref<!tpu.dma_semaphore, #tpu.memory_space<semaphore_mem>>) {add = true}
        %dma_wait3A_129 = arith.constant 0 : i32
        %dma_wait3A_130 = tpu.memref_slice %arg10[%add3A_115, %dma_wait3A_129] : memref<40x125xi32, #tpu.memory_space<vmem>> -> memref<1x125xi32, #tpu.memory_space<vmem>>
        %dma_wait3A_131 = tpu.memref_squeeze %dma_wait3A_130 : memref<1x125xi32, #tpu.memory_space<vmem>> -> memref<125xi32, #tpu.memory_space<vmem>>
        %dma_wait3A_132 = arith.constant 0 : i32
        %dma_wait3A_133 = arith.constant 0 : i32
        %dma_wait3A_134 = tpu.memref_slice %arg8[%dma_wait3A_132, %dma_wait3A_133] : memref<10112x128xf32, #tpu.memory_space<vmem_shared>> -> memref<10112x128xf32, #tpu.memory_space<vmem_shared>>
        tpu.wait_indirect_dma semaphore(%run_scoped3A : memref<!tpu.dma_semaphore, #tpu.memory_space<semaphore_mem>>) src(%arg12 : memref<125x128xf32, #tpu.memory_space<vmem>>) dst(%dma_wait3A_134 : memref<10112x128xf32, #tpu.memory_space<vmem_shared>>)
        tpu.yield
      }) : () -> ()
      %add3A_116 = arith.constant 3 : i32
      %add3A_117 = arith.addi %mul3A_96, %add3A_116 : i32
      %lt3A_118 = arith.constant 40 : i32
      %lt3A_119 = arith.cmpi slt, %add3A_117, %lt3A_118 : i32
      %convert_element_type3A_120 = arith.extui %lt3A_119 : i1 to i32
      %cond3A_121 = arith.constant 0 : i32
      %cond3A_122 = arith.cmpi ne, %convert_element_type3A_120, %cond3A_121 : i32
      scf.if %cond3A_122 {
        %add3A_123 = arith.constant 3 : i32
        %add3A_124 = arith.addi %mul3A_96, %add3A_123 : i32
        %dma_start3A_125 = arith.constant 0 : i32
        %dma_start3A_126 = tpu.memref_slice %arg9[%add3A_124, %dma_start3A_125] : memref<40x125xi32, #tpu.memory_space<vmem>> -> memref<1x125xi32, #tpu.memory_space<vmem>>
        %dma_start3A_127 = tpu.memref_squeeze %dma_start3A_126 : memref<1x125xi32, #tpu.memory_space<vmem>> -> memref<125xi32, #tpu.memory_space<vmem>>
        %dma_start3A_128 = arith.constant 0 : i32
        %dma_start3A_129 = arith.constant 0 : i32
        %dma_start3A_130 = tpu.memref_slice %arg2[%dma_start3A_128, %dma_start3A_129] : memref<10000x128xf32, #tpu.memory_space<hbm>> -> memref<10000x128xf32, #tpu.memory_space<hbm>>
        tpu.enqueue_indirect_dma source(%dma_start3A_130 : memref<10000x128xf32, #tpu.memory_space<hbm>>) target(%arg12 : memref<125x128xf32, #tpu.memory_space<vmem>>) offsets(%dma_start3A_127 : memref<125xi32, #tpu.memory_space<vmem>>) semaphore(%arg14 : memref<!tpu.dma_semaphore, #tpu.memory_space<semaphore_mem>>)
      } else {
      }
    }
    %scan3A_58 = arith.constant 20 : i32
    %barrier3A_59 = arith.constant 0 : index
    tpu.barrier barrier_id(%barrier3A_59)
    %mul3A_60 = arith.constant 632 : i32
    %mul3A_61 = arith.muli %arg1, %mul3A_60 : i32
    %mul3A_62 = arith.constant 632 : i32
    %mul3A_63 = arith.muli %arg1, %mul3A_62 : i32
    "tpu.region"() ({
      %run_scoped3A = tpu.sem_alloc : memref<!tpu.dma_semaphore, #tpu.memory_space<semaphore_mem>>
      %dma_start3A_94 = arith.constant 0 : i32
      %dma_start3A_95 = tpu.memref_slice %arg6[%arg0, %mul3A_63, %dma_start3A_94] : memref<2x10112x128xf32, #tpu.memory_space<hbm>> -> memref<1x632x128xf32, #tpu.memory_space<hbm>>
      %dma_start3A_96 = tpu.memref_squeeze %dma_start3A_95 : memref<1x632x128xf32, #tpu.memory_space<hbm>> -> memref<632x128xf32, #tpu.memory_space<hbm>>
      %dma_start3A_97 = arith.constant 0 : i32
      %dma_start3A_98 = tpu.memref_slice %arg8[%mul3A_61, %dma_start3A_97] : memref<10112x128xf32, #tpu.memory_space<vmem_shared>> -> memref<632x128xf32, #tpu.memory_space<vmem_shared>>
      tpu.enqueue_dma source(%dma_start3A_98 : memref<632x128xf32, #tpu.memory_space<vmem_shared>>) target(%dma_start3A_96 : memref<632x128xf32, #tpu.memory_space<hbm>>) target_semaphore(%run_scoped3A : memref<!tpu.dma_semaphore, #tpu.memory_space<semaphore_mem>>)
      %dma_wait3A = arith.constant 0 : i32
      %dma_wait3A_99 = tpu.memref_slice %arg6[%arg0, %mul3A_63, %dma_wait3A] : memref<2x10112x128xf32, #tpu.memory_space<hbm>> -> memref<1x632x128xf32, #tpu.memory_space<hbm>>
      %dma_wait3A_100 = tpu.memref_squeeze %dma_wait3A_99 : memref<1x632x128xf32, #tpu.memory_space<hbm>> -> memref<632x128xf32, #tpu.memory_space<hbm>>
      %dma_wait3A_101 = arith.constant 0 : i32
      %dma_wait3A_102 = tpu.memref_slice %arg8[%mul3A_61, %dma_wait3A_101] : memref<10112x128xf32, #tpu.memory_space<vmem_shared>> -> memref<632x128xf32, #tpu.memory_space<vmem_shared>>
      tpu.wait_dma2 semaphore(%run_scoped3A : memref<!tpu.dma_semaphore, #tpu.memory_space<semaphore_mem>>) src(%dma_wait3A_102 : memref<632x128xf32, #tpu.memory_space<vmem_shared>>) dst(%dma_wait3A_100 : memref<632x128xf32, #tpu.memory_space<hbm>>)
      tpu.yield
    }) : () -> ()
    %mul3A_64 = arith.constant 632 : i32
    %mul3A_65 = arith.muli %arg1, %mul3A_64 : i32
    %mul3A_66 = arith.constant 632 : i32
    %mul3A_67 = arith.muli %arg1, %mul3A_66 : i32
    "tpu.region"() ({
      %run_scoped3A = tpu.sem_alloc : memref<!tpu.dma_semaphore, #tpu.memory_space<semaphore_mem>>
      %dma_start3A_94 = arith.constant 0 : i32
      %dma_start3A_95 = tpu.memref_slice %arg8[%mul3A_67, %dma_start3A_94] : memref<10112x128xf32, #tpu.memory_space<vmem_shared>> -> memref<632x128xf32, #tpu.memory_space<vmem_shared>>
      %dma_start3A_96 = arith.constant 0 : i32
      %dma_start3A_97 = tpu.memref_slice %arg5[%mul3A_65, %dma_start3A_96] : memref<10237x128xf32, #tpu.memory_space<hbm>> -> memref<632x128xf32, #tpu.memory_space<hbm>>
      tpu.enqueue_dma source(%dma_start3A_97 : memref<632x128xf32, #tpu.memory_space<hbm>>) target(%dma_start3A_95 : memref<632x128xf32, #tpu.memory_space<vmem_shared>>) target_semaphore(%run_scoped3A : memref<!tpu.dma_semaphore, #tpu.memory_space<semaphore_mem>>)
      %dma_wait3A = arith.constant 0 : i32
      %dma_wait3A_98 = tpu.memref_slice %arg8[%mul3A_67, %dma_wait3A] : memref<10112x128xf32, #tpu.memory_space<vmem_shared>> -> memref<632x128xf32, #tpu.memory_space<vmem_shared>>
      %dma_wait3A_99 = arith.constant 0 : i32
      %dma_wait3A_100 = tpu.memref_slice %arg5[%mul3A_65, %dma_wait3A_99] : memref<10237x128xf32, #tpu.memory_space<hbm>> -> memref<632x128xf32, #tpu.memory_space<hbm>>
      tpu.wait_dma2 semaphore(%run_scoped3A : memref<!tpu.dma_semaphore, #tpu.memory_space<semaphore_mem>>) src(%dma_wait3A_100 : memref<632x128xf32, #tpu.memory_space<hbm>>) dst(%dma_wait3A_98 : memref<632x128xf32, #tpu.memory_space<vmem_shared>>)
      tpu.yield
    }) : () -> ()
    "tpu.region"() ({
      %run_scoped3A = tpu.sem_alloc : memref<!tpu.dma_semaphore, #tpu.memory_space<semaphore_mem>>
      %dma_start3A_94 = arith.constant 10112 : i32
      %dma_start3A_95 = arith.constant 0 : i32
      %dma_start3A_96 = tpu.memref_slice %arg5[%dma_start3A_94, %dma_start3A_95] : memref<10237x128xf32, #tpu.memory_space<hbm>> -> memref<125x128xf32, #tpu.memory_space<hbm>>
      %dma_start3A_97 = arith.constant 10112 : i32
      %dma_start3A_98 = arith.constant 0 : i32
      %dma_start3A_99 = tpu.memref_slice %arg5[%dma_start3A_97, %dma_start3A_98] : memref<10237x128xf32, #tpu.memory_space<hbm>> -> memref<125x128xf32, #tpu.memory_space<hbm>>
      tpu.enqueue_dma source(%dma_start3A_99 : memref<125x128xf32, #tpu.memory_space<hbm>>) target(%arg11 : memref<125x128xf32, #tpu.memory_space<vmem>>) target_semaphore(%run_scoped3A : memref<!tpu.dma_semaphore, #tpu.memory_space<semaphore_mem>>)
      %dma_wait3A = arith.constant 10112 : i32
      %dma_wait3A_100 = arith.constant 0 : i32
      %dma_wait3A_101 = tpu.memref_slice %arg5[%dma_wait3A, %dma_wait3A_100] : memref<10237x128xf32, #tpu.memory_space<hbm>> -> memref<125x128xf32, #tpu.memory_space<hbm>>
      %dma_wait3A_102 = arith.constant 10112 : i32
      %dma_wait3A_103 = arith.constant 0 : i32
      %dma_wait3A_104 = tpu.memref_slice %arg5[%dma_wait3A_102, %dma_wait3A_103] : memref<10237x128xf32, #tpu.memory_space<hbm>> -> memref<125x128xf32, #tpu.memory_space<hbm>>
      tpu.wait_dma2 semaphore(%run_scoped3A : memref<!tpu.dma_semaphore, #tpu.memory_space<semaphore_mem>>) src(%dma_wait3A_104 : memref<125x128xf32, #tpu.memory_space<hbm>>) dst(%arg11 : memref<125x128xf32, #tpu.memory_space<vmem>>)
      tpu.yield
    }) : () -> ()
    %barrier3A_68 = arith.constant 0 : index
    tpu.barrier barrier_id(%barrier3A_68)
    %mul3A_69 = arith.constant 80 : i32
    %mul3A_70 = arith.muli %add3A, %mul3A_69 : i32
    %add3A_71 = arith.constant 0 : i32
    %add3A_72 = arith.addi %mul3A_70, %add3A_71 : i32
    "tpu.region"() ({
      %run_scoped3A = tpu.sem_alloc : memref<!tpu.dma_semaphore, #tpu.memory_space<semaphore_mem>>
      %dma_start3A_94 = arith.constant 0 : i32
      %dma_start3A_95 = tpu.memref_slice %arg4[%add3A_72, %dma_start3A_94] : memref<2560x125xi32, #tpu.memory_space<hbm>> -> memref<40x125xi32, #tpu.memory_space<hbm>>
      %dma_start3A_96 = arith.constant 0 : i32
      %dma_start3A_97 = tpu.memref_slice %arg4[%add3A_72, %dma_start3A_96] : memref<2560x125xi32, #tpu.memory_space<hbm>> -> memref<40x125xi32, #tpu.memory_space<hbm>>
      tpu.enqueue_dma source(%dma_start3A_97 : memref<40x125xi32, #tpu.memory_space<hbm>>) target(%arg10 : memref<40x125xi32, #tpu.memory_space<vmem>>) target_semaphore(%run_scoped3A : memref<!tpu.dma_semaphore, #tpu.memory_space<semaphore_mem>>)
      %dma_wait3A = arith.constant 0 : i32
      %dma_wait3A_98 = tpu.memref_slice %arg4[%add3A_72, %dma_wait3A] : memref<2560x125xi32, #tpu.memory_space<hbm>> -> memref<40x125xi32, #tpu.memory_space<hbm>>
      %dma_wait3A_99 = arith.constant 0 : i32
      %dma_wait3A_100 = tpu.memref_slice %arg4[%add3A_72, %dma_wait3A_99] : memref<2560x125xi32, #tpu.memory_space<hbm>> -> memref<40x125xi32, #tpu.memory_space<hbm>>
      tpu.wait_dma2 semaphore(%run_scoped3A : memref<!tpu.dma_semaphore, #tpu.memory_space<semaphore_mem>>) src(%dma_wait3A_100 : memref<40x125xi32, #tpu.memory_space<hbm>>) dst(%arg10 : memref<40x125xi32, #tpu.memory_space<vmem>>)
      tpu.yield
    }) : () -> ()
    %scan3A_73 = arith.constant 0 : i32
    %scan3A_74 = arith.constant 0 : i32
    %scan3A_75 = arith.constant 40 : i32
    %scan3A_76 = arith.addi %scan3A_74, %scan3A_75 : i32
    %scan3A_77 = arith.constant 1 : i32
    scf.for %scan3A_94 = %scan3A_74 to %scan3A_76 step %scan3A_77  : i32 {
      "tpu.region"() ({
        %run_scoped3A = tpu.sem_alloc : memref<!tpu.dma_semaphore, #tpu.memory_space<semaphore_mem>>
        %dma_start3A_95 = arith.constant 0 : i32
        %dma_start3A_96 = tpu.memref_slice %arg10[%scan3A_94, %dma_start3A_95] : memref<40x125xi32, #tpu.memory_space<vmem>> -> memref<1x125xi32, #tpu.memory_space<vmem>>
        %dma_start3A_97 = tpu.memref_squeeze %dma_start3A_96 : memref<1x125xi32, #tpu.memory_space<vmem>> -> memref<125xi32, #tpu.memory_space<vmem>>
        %dma_start3A_98 = arith.constant 0 : i32
        %dma_start3A_99 = arith.constant 0 : i32
        %dma_start3A_100 = tpu.memref_slice %arg8[%dma_start3A_98, %dma_start3A_99] : memref<10112x128xf32, #tpu.memory_space<vmem_shared>> -> memref<10112x128xf32, #tpu.memory_space<vmem_shared>>
        tpu.enqueue_indirect_dma source(%arg11 : memref<125x128xf32, #tpu.memory_space<vmem>>) target(%dma_start3A_100 : memref<10112x128xf32, #tpu.memory_space<vmem_shared>>) offsets(%dma_start3A_97 : memref<125xi32, #tpu.memory_space<vmem>>) semaphore(%run_scoped3A : memref<!tpu.dma_semaphore, #tpu.memory_space<semaphore_mem>>) {add = true}
        %dma_wait3A = arith.constant 0 : i32
        %dma_wait3A_101 = tpu.memref_slice %arg10[%scan3A_94, %dma_wait3A] : memref<40x125xi32, #tpu.memory_space<vmem>> -> memref<1x125xi32, #tpu.memory_space<vmem>>
        %dma_wait3A_102 = tpu.memref_squeeze %dma_wait3A_101 : memref<1x125xi32, #tpu.memory_space<vmem>> -> memref<125xi32, #tpu.memory_space<vmem>>
        %dma_wait3A_103 = arith.constant 0 : i32
        %dma_wait3A_104 = arith.constant 0 : i32
        %dma_wait3A_105 = tpu.memref_slice %arg8[%dma_wait3A_103, %dma_wait3A_104] : memref<10112x128xf32, #tpu.memory_space<vmem_shared>> -> memref<10112x128xf32, #tpu.memory_space<vmem_shared>>
        tpu.wait_indirect_dma semaphore(%run_scoped3A : memref<!tpu.dma_semaphore, #tpu.memory_space<semaphore_mem>>) src(%arg11 : memref<125x128xf32, #tpu.memory_space<vmem>>) dst(%dma_wait3A_105 : memref<10112x128xf32, #tpu.memory_space<vmem_shared>>)
        tpu.yield
      }) : () -> ()
    }
    %scan3A_78 = arith.constant 40 : i32
    %mul3A_79 = arith.constant 80 : i32
    %mul3A_80 = arith.muli %add3A, %mul3A_79 : i32
    %add3A_81 = arith.constant 40 : i32
    %add3A_82 = arith.addi %mul3A_80, %add3A_81 : i32
    "tpu.region"() ({
      %run_scoped3A = tpu.sem_alloc : memref<!tpu.dma_semaphore, #tpu.memory_space<semaphore_mem>>
      %dma_start3A_94 = arith.constant 0 : i32
      %dma_start3A_95 = tpu.memref_slice %arg4[%add3A_82, %dma_start3A_94] : memref<2560x125xi32, #tpu.memory_space<hbm>> -> memref<40x125xi32, #tpu.memory_space<hbm>>
      %dma_start3A_96 = arith.constant 0 : i32
      %dma_start3A_97 = tpu.memref_slice %arg4[%add3A_82, %dma_start3A_96] : memref<2560x125xi32, #tpu.memory_space<hbm>> -> memref<40x125xi32, #tpu.memory_space<hbm>>
      tpu.enqueue_dma source(%dma_start3A_97 : memref<40x125xi32, #tpu.memory_space<hbm>>) target(%arg10 : memref<40x125xi32, #tpu.memory_space<vmem>>) target_semaphore(%run_scoped3A : memref<!tpu.dma_semaphore, #tpu.memory_space<semaphore_mem>>)
      %dma_wait3A = arith.constant 0 : i32
      %dma_wait3A_98 = tpu.memref_slice %arg4[%add3A_82, %dma_wait3A] : memref<2560x125xi32, #tpu.memory_space<hbm>> -> memref<40x125xi32, #tpu.memory_space<hbm>>
      %dma_wait3A_99 = arith.constant 0 : i32
      %dma_wait3A_100 = tpu.memref_slice %arg4[%add3A_82, %dma_wait3A_99] : memref<2560x125xi32, #tpu.memory_space<hbm>> -> memref<40x125xi32, #tpu.memory_space<hbm>>
      tpu.wait_dma2 semaphore(%run_scoped3A : memref<!tpu.dma_semaphore, #tpu.memory_space<semaphore_mem>>) src(%dma_wait3A_100 : memref<40x125xi32, #tpu.memory_space<hbm>>) dst(%arg10 : memref<40x125xi32, #tpu.memory_space<vmem>>)
      tpu.yield
    }) : () -> ()
    %scan3A_83 = arith.constant 0 : i32
    %scan3A_84 = arith.constant 0 : i32
    %scan3A_85 = arith.constant 40 : i32
    %scan3A_86 = arith.addi %scan3A_84, %scan3A_85 : i32
    %scan3A_87 = arith.constant 1 : i32
    scf.for %scan3A_94 = %scan3A_84 to %scan3A_86 step %scan3A_87  : i32 {
      "tpu.region"() ({
        %run_scoped3A = tpu.sem_alloc : memref<!tpu.dma_semaphore, #tpu.memory_space<semaphore_mem>>
        %dma_start3A_95 = arith.constant 0 : i32
        %dma_start3A_96 = tpu.memref_slice %arg10[%scan3A_94, %dma_start3A_95] : memref<40x125xi32, #tpu.memory_space<vmem>> -> memref<1x125xi32, #tpu.memory_space<vmem>>
        %dma_start3A_97 = tpu.memref_squeeze %dma_start3A_96 : memref<1x125xi32, #tpu.memory_space<vmem>> -> memref<125xi32, #tpu.memory_space<vmem>>
        %dma_start3A_98 = arith.constant 0 : i32
        %dma_start3A_99 = arith.constant 0 : i32
        %dma_start3A_100 = tpu.memref_slice %arg8[%dma_start3A_98, %dma_start3A_99] : memref<10112x128xf32, #tpu.memory_space<vmem_shared>> -> memref<10112x128xf32, #tpu.memory_space<vmem_shared>>
        tpu.enqueue_indirect_dma source(%arg11 : memref<125x128xf32, #tpu.memory_space<vmem>>) target(%dma_start3A_100 : memref<10112x128xf32, #tpu.memory_space<vmem_shared>>) offsets(%dma_start3A_97 : memref<125xi32, #tpu.memory_space<vmem>>) semaphore(%run_scoped3A : memref<!tpu.dma_semaphore, #tpu.memory_space<semaphore_mem>>) {add = true}
        %dma_wait3A = arith.constant 0 : i32
        %dma_wait3A_101 = tpu.memref_slice %arg10[%scan3A_94, %dma_wait3A] : memref<40x125xi32, #tpu.memory_space<vmem>> -> memref<1x125xi32, #tpu.memory_space<vmem>>
        %dma_wait3A_102 = tpu.memref_squeeze %dma_wait3A_101 : memref<1x125xi32, #tpu.memory_space<vmem>> -> memref<125xi32, #tpu.memory_space<vmem>>
        %dma_wait3A_103 = arith.constant 0 : i32
        %dma_wait3A_104 = arith.constant 0 : i32
        %dma_wait3A_105 = tpu.memref_slice %arg8[%dma_wait3A_103, %dma_wait3A_104] : memref<10112x128xf32, #tpu.memory_space<vmem_shared>> -> memref<10112x128xf32, #tpu.memory_space<vmem_shared>>
        tpu.wait_indirect_dma semaphore(%run_scoped3A : memref<!tpu.dma_semaphore, #tpu.memory_space<semaphore_mem>>) src(%arg11 : memref<125x128xf32, #tpu.memory_space<vmem>>) dst(%dma_wait3A_105 : memref<10112x128xf32, #tpu.memory_space<vmem_shared>>)
        tpu.yield
      }) : () -> ()
    }
    %scan3A_88 = arith.constant 40 : i32
    %barrier3A_89 = arith.constant 0 : index
    tpu.barrier barrier_id(%barrier3A_89)
    %mul3A_90 = arith.constant 632 : i32
    %mul3A_91 = arith.muli %arg1, %mul3A_90 : i32
    %mul3A_92 = arith.constant 632 : i32
    %mul3A_93 = arith.muli %arg1, %mul3A_92 : i32
    "tpu.region"() ({
      %run_scoped3A = tpu.sem_alloc : memref<!tpu.dma_semaphore, #tpu.memory_space<semaphore_mem>>
      %dma_start3A_94 = arith.constant 0 : i32
      %dma_start3A_95 = tpu.memref_slice %arg7[%arg0, %mul3A_93, %dma_start3A_94] : memref<2x10112x128xf32, #tpu.memory_space<hbm>> -> memref<1x632x128xf32, #tpu.memory_space<hbm>>
      %dma_start3A_96 = tpu.memref_squeeze %dma_start3A_95 : memref<1x632x128xf32, #tpu.memory_space<hbm>> -> memref<632x128xf32, #tpu.memory_space<hbm>>
      %dma_start3A_97 = arith.constant 0 : i32
      %dma_start3A_98 = tpu.memref_slice %arg8[%mul3A_91, %dma_start3A_97] : memref<10112x128xf32, #tpu.memory_space<vmem_shared>> -> memref<632x128xf32, #tpu.memory_space<vmem_shared>>
      tpu.enqueue_dma source(%dma_start3A_98 : memref<632x128xf32, #tpu.memory_space<vmem_shared>>) target(%dma_start3A_96 : memref<632x128xf32, #tpu.memory_space<hbm>>) target_semaphore(%run_scoped3A : memref<!tpu.dma_semaphore, #tpu.memory_space<semaphore_mem>>)
      %dma_wait3A = arith.constant 0 : i32
      %dma_wait3A_99 = tpu.memref_slice %arg7[%arg0, %mul3A_93, %dma_wait3A] : memref<2x10112x128xf32, #tpu.memory_space<hbm>> -> memref<1x632x128xf32, #tpu.memory_space<hbm>>
      %dma_wait3A_100 = tpu.memref_squeeze %dma_wait3A_99 : memref<1x632x128xf32, #tpu.memory_space<hbm>> -> memref<632x128xf32, #tpu.memory_space<hbm>>
      %dma_wait3A_101 = arith.constant 0 : i32
      %dma_wait3A_102 = tpu.memref_slice %arg8[%mul3A_91, %dma_wait3A_101] : memref<10112x128xf32, #tpu.memory_space<vmem_shared>> -> memref<632x128xf32, #tpu.memory_space<vmem_shared>>
      tpu.wait_dma2 semaphore(%run_scoped3A : memref<!tpu.dma_semaphore, #tpu.memory_space<semaphore_mem>>) src(%dma_wait3A_102 : memref<632x128xf32, #tpu.memory_space<vmem_shared>>) dst(%dma_wait3A_100 : memref<632x128xf32, #tpu.memory_space<hbm>>)
      tpu.yield
    }) : () -> ()
    return
  }
}

#map = affine_map<(d0, d1) -> (0, 0)>
#map1 = affine_map<(d0, d1) -> (0, 0, 0)>
module attributes {stable_mosaic.version = 14 : i64} {
  func.func @body(%arg0: i32, %arg1: i32, %arg2: memref<10000x128xf32, #tpu.memory_space<hbm>>, %arg3: memref<2560x125xi32, #tpu.memory_space<hbm>>, %arg4: memref<2560x125xi32, #tpu.memory_space<hbm>>, %arg5: memref<10237x128xf32, #tpu.memory_space<hbm>>, %arg6: memref<2x10112x128xf32, #tpu.memory_space<hbm>>, %arg7: memref<10112x128xf32, #tpu.memory_space<vmem_shared>>, %arg8: memref<40x125xi32, #tpu.memory_space<vmem>>, %arg9: memref<40x125xi32, #tpu.memory_space<vmem>>, %arg10: memref<125x128xf32, #tpu.memory_space<vmem>>, %arg11: memref<125x128xf32, #tpu.memory_space<vmem>>, %arg12: memref<!tpu.dma_semaphore, #tpu.memory_space<semaphore_mem>>, %arg13: memref<!tpu.dma_semaphore, #tpu.memory_space<semaphore_mem>>) attributes {dimension_semantics = [#tpu.dimension_semantics<core_parallel>, #tpu.dimension_semantics<subcore_parallel>], iteration_bounds = array<i64: 2, 16>, scalar_prefetch = 0 : i64, scratch_operands = 7 : i64, tpu.core_type = #tpu.core_type<sc_vector_subcore>, window_params = [{transform_indices = #map}, {transform_indices = #map}, {transform_indices = #map}, {transform_indices = #map}, {transform_indices = #map1}]} {
    %mul3A = arith.constant 16 : i32
    %mul3A_0 = arith.muli %arg0, %mul3A : i32
    %add3A = arith.addi %mul3A_0, %arg1 : i32
    %mul3A_1 = arith.constant 632 : i32
    %mul3A_2 = arith.muli %arg1, %mul3A_1 : i32
    %mul3A_3 = arith.constant 632 : i32
    %mul3A_4 = arith.muli %arg1, %mul3A_3 : i32
    "tpu.region"() ({
      %run_scoped3A = tpu.sem_alloc : memref<!tpu.dma_semaphore, #tpu.memory_space<semaphore_mem>>
      %dma_start3A_64 = arith.constant 0 : i32
      %dma_start3A_65 = tpu.memref_slice %arg7[%mul3A_4, %dma_start3A_64] : memref<10112x128xf32, #tpu.memory_space<vmem_shared>> -> memref<632x128xf32, #tpu.memory_space<vmem_shared>>
      %dma_start3A_66 = arith.constant 0 : i32
      %dma_start3A_67 = tpu.memref_slice %arg5[%mul3A_2, %dma_start3A_66] : memref<10237x128xf32, #tpu.memory_space<hbm>> -> memref<632x128xf32, #tpu.memory_space<hbm>>
      tpu.enqueue_dma source(%dma_start3A_67 : memref<632x128xf32, #tpu.memory_space<hbm>>) target(%dma_start3A_65 : memref<632x128xf32, #tpu.memory_space<vmem_shared>>) target_semaphore(%run_scoped3A : memref<!tpu.dma_semaphore, #tpu.memory_space<semaphore_mem>>)
      %dma_wait3A = arith.constant 0 : i32
      %dma_wait3A_68 = tpu.memref_slice %arg7[%mul3A_4, %dma_wait3A] : memref<10112x128xf32, #tpu.memory_space<vmem_shared>> -> memref<632x128xf32, #tpu.memory_space<vmem_shared>>
      %dma_wait3A_69 = arith.constant 0 : i32
      %dma_wait3A_70 = tpu.memref_slice %arg5[%mul3A_2, %dma_wait3A_69] : memref<10237x128xf32, #tpu.memory_space<hbm>> -> memref<632x128xf32, #tpu.memory_space<hbm>>
      tpu.wait_dma2 semaphore(%run_scoped3A : memref<!tpu.dma_semaphore, #tpu.memory_space<semaphore_mem>>) src(%dma_wait3A_70 : memref<632x128xf32, #tpu.memory_space<hbm>>) dst(%dma_wait3A_68 : memref<632x128xf32, #tpu.memory_space<vmem_shared>>)
      tpu.yield
    }) : () -> ()
    %barrier3A = arith.constant 0 : index
    tpu.barrier barrier_id(%barrier3A)
    %mul3A_5 = arith.constant 80 : i32
    %mul3A_6 = arith.muli %add3A, %mul3A_5 : i32
    %add3A_7 = arith.constant 0 : i32
    %add3A_8 = arith.addi %mul3A_6, %add3A_7 : i32
    "tpu.region"() ({
      %run_scoped3A = tpu.sem_alloc : memref<!tpu.dma_semaphore, #tpu.memory_space<semaphore_mem>>
      %dma_start3A_64 = arith.constant 0 : i32
      %dma_start3A_65 = tpu.memref_slice %arg3[%add3A_8, %dma_start3A_64] : memref<2560x125xi32, #tpu.memory_space<hbm>> -> memref<40x125xi32, #tpu.memory_space<hbm>>
      %dma_start3A_66 = arith.constant 0 : i32
      %dma_start3A_67 = tpu.memref_slice %arg3[%add3A_8, %dma_start3A_66] : memref<2560x125xi32, #tpu.memory_space<hbm>> -> memref<40x125xi32, #tpu.memory_space<hbm>>
      tpu.enqueue_dma source(%dma_start3A_67 : memref<40x125xi32, #tpu.memory_space<hbm>>) target(%arg8 : memref<40x125xi32, #tpu.memory_space<vmem>>) target_semaphore(%run_scoped3A : memref<!tpu.dma_semaphore, #tpu.memory_space<semaphore_mem>>)
      %dma_wait3A = arith.constant 0 : i32
      %dma_wait3A_68 = tpu.memref_slice %arg3[%add3A_8, %dma_wait3A] : memref<2560x125xi32, #tpu.memory_space<hbm>> -> memref<40x125xi32, #tpu.memory_space<hbm>>
      %dma_wait3A_69 = arith.constant 0 : i32
      %dma_wait3A_70 = tpu.memref_slice %arg3[%add3A_8, %dma_wait3A_69] : memref<2560x125xi32, #tpu.memory_space<hbm>> -> memref<40x125xi32, #tpu.memory_space<hbm>>
      tpu.wait_dma2 semaphore(%run_scoped3A : memref<!tpu.dma_semaphore, #tpu.memory_space<semaphore_mem>>) src(%dma_wait3A_70 : memref<40x125xi32, #tpu.memory_space<hbm>>) dst(%arg8 : memref<40x125xi32, #tpu.memory_space<vmem>>)
      tpu.yield
    }) : () -> ()
    %mul3A_9 = arith.constant 80 : i32
    %mul3A_10 = arith.muli %add3A, %mul3A_9 : i32
    %add3A_11 = arith.constant 0 : i32
    %add3A_12 = arith.addi %mul3A_10, %add3A_11 : i32
    "tpu.region"() ({
      %run_scoped3A = tpu.sem_alloc : memref<!tpu.dma_semaphore, #tpu.memory_space<semaphore_mem>>
      %dma_start3A_64 = arith.constant 0 : i32
      %dma_start3A_65 = tpu.memref_slice %arg4[%add3A_12, %dma_start3A_64] : memref<2560x125xi32, #tpu.memory_space<hbm>> -> memref<40x125xi32, #tpu.memory_space<hbm>>
      %dma_start3A_66 = arith.constant 0 : i32
      %dma_start3A_67 = tpu.memref_slice %arg4[%add3A_12, %dma_start3A_66] : memref<2560x125xi32, #tpu.memory_space<hbm>> -> memref<40x125xi32, #tpu.memory_space<hbm>>
      tpu.enqueue_dma source(%dma_start3A_67 : memref<40x125xi32, #tpu.memory_space<hbm>>) target(%arg9 : memref<40x125xi32, #tpu.memory_space<vmem>>) target_semaphore(%run_scoped3A : memref<!tpu.dma_semaphore, #tpu.memory_space<semaphore_mem>>)
      %dma_wait3A = arith.constant 0 : i32
      %dma_wait3A_68 = tpu.memref_slice %arg4[%add3A_12, %dma_wait3A] : memref<2560x125xi32, #tpu.memory_space<hbm>> -> memref<40x125xi32, #tpu.memory_space<hbm>>
      %dma_wait3A_69 = arith.constant 0 : i32
      %dma_wait3A_70 = tpu.memref_slice %arg4[%add3A_12, %dma_wait3A_69] : memref<2560x125xi32, #tpu.memory_space<hbm>> -> memref<40x125xi32, #tpu.memory_space<hbm>>
      tpu.wait_dma2 semaphore(%run_scoped3A : memref<!tpu.dma_semaphore, #tpu.memory_space<semaphore_mem>>) src(%dma_wait3A_70 : memref<40x125xi32, #tpu.memory_space<hbm>>) dst(%arg9 : memref<40x125xi32, #tpu.memory_space<vmem>>)
      tpu.yield
    }) : () -> ()
    %dma_start3A = arith.constant 0 : i32
    %dma_start3A_13 = arith.constant 0 : i32
    %dma_start3A_14 = tpu.memref_slice %arg8[%dma_start3A, %dma_start3A_13] : memref<40x125xi32, #tpu.memory_space<vmem>> -> memref<1x125xi32, #tpu.memory_space<vmem>>
    %dma_start3A_15 = tpu.memref_squeeze %dma_start3A_14 : memref<1x125xi32, #tpu.memory_space<vmem>> -> memref<125xi32, #tpu.memory_space<vmem>>
    %dma_start3A_16 = arith.constant 0 : i32
    %dma_start3A_17 = arith.constant 0 : i32
    %dma_start3A_18 = tpu.memref_slice %arg2[%dma_start3A_16, %dma_start3A_17] : memref<10000x128xf32, #tpu.memory_space<hbm>> -> memref<10000x128xf32, #tpu.memory_space<hbm>>
    tpu.enqueue_indirect_dma source(%dma_start3A_18 : memref<10000x128xf32, #tpu.memory_space<hbm>>) target(%arg10 : memref<125x128xf32, #tpu.memory_space<vmem>>) offsets(%dma_start3A_15 : memref<125xi32, #tpu.memory_space<vmem>>) semaphore(%arg12 : memref<!tpu.dma_semaphore, #tpu.memory_space<semaphore_mem>>)
    %dma_start3A_19 = arith.constant 1 : i32
    %dma_start3A_20 = arith.constant 0 : i32
    %dma_start3A_21 = tpu.memref_slice %arg8[%dma_start3A_19, %dma_start3A_20] : memref<40x125xi32, #tpu.memory_space<vmem>> -> memref<1x125xi32, #tpu.memory_space<vmem>>
    %dma_start3A_22 = tpu.memref_squeeze %dma_start3A_21 : memref<1x125xi32, #tpu.memory_space<vmem>> -> memref<125xi32, #tpu.memory_space<vmem>>
    %dma_start3A_23 = arith.constant 0 : i32
    %dma_start3A_24 = arith.constant 0 : i32
    %dma_start3A_25 = tpu.memref_slice %arg2[%dma_start3A_23, %dma_start3A_24] : memref<10000x128xf32, #tpu.memory_space<hbm>> -> memref<10000x128xf32, #tpu.memory_space<hbm>>
    tpu.enqueue_indirect_dma source(%dma_start3A_25 : memref<10000x128xf32, #tpu.memory_space<hbm>>) target(%arg11 : memref<125x128xf32, #tpu.memory_space<vmem>>) offsets(%dma_start3A_22 : memref<125xi32, #tpu.memory_space<vmem>>) semaphore(%arg13 : memref<!tpu.dma_semaphore, #tpu.memory_space<semaphore_mem>>)
    %scan3A = arith.constant 0 : i32
    %scan3A_26 = arith.constant 0 : i32
    %scan3A_27 = arith.constant 20 : i32
    %scan3A_28 = arith.addi %scan3A_26, %scan3A_27 : i32
    %scan3A_29 = arith.constant 1 : i32
    scf.for %scan3A_64 = %scan3A_26 to %scan3A_28 step %scan3A_29  : i32 {
      %mul3A_65 = arith.constant 2 : i32
      %mul3A_66 = arith.muli %mul3A_65, %scan3A_64 : i32
      %dma_wait3A = arith.constant 0 : i32
      %dma_wait3A_67 = tpu.memref_slice %arg8[%mul3A_66, %dma_wait3A] : memref<40x125xi32, #tpu.memory_space<vmem>> -> memref<1x125xi32, #tpu.memory_space<vmem>>
      %dma_wait3A_68 = tpu.memref_squeeze %dma_wait3A_67 : memref<1x125xi32, #tpu.memory_space<vmem>> -> memref<125xi32, #tpu.memory_space<vmem>>
      %dma_wait3A_69 = arith.constant 0 : i32
      %dma_wait3A_70 = arith.constant 0 : i32
      %dma_wait3A_71 = tpu.memref_slice %arg2[%dma_wait3A_69, %dma_wait3A_70] : memref<10000x128xf32, #tpu.memory_space<hbm>> -> memref<10000x128xf32, #tpu.memory_space<hbm>>
      tpu.wait_indirect_dma semaphore(%arg12 : memref<!tpu.dma_semaphore, #tpu.memory_space<semaphore_mem>>) src(%dma_wait3A_71 : memref<10000x128xf32, #tpu.memory_space<hbm>>) dst(%arg10 : memref<125x128xf32, #tpu.memory_space<vmem>>)
      "tpu.region"() ({
        %run_scoped3A = tpu.sem_alloc : memref<!tpu.dma_semaphore, #tpu.memory_space<semaphore_mem>>
        %dma_start3A_93 = arith.constant 0 : i32
        %dma_start3A_94 = tpu.memref_slice %arg9[%mul3A_66, %dma_start3A_93] : memref<40x125xi32, #tpu.memory_space<vmem>> -> memref<1x125xi32, #tpu.memory_space<vmem>>
        %dma_start3A_95 = tpu.memref_squeeze %dma_start3A_94 : memref<1x125xi32, #tpu.memory_space<vmem>> -> memref<125xi32, #tpu.memory_space<vmem>>
        %dma_start3A_96 = arith.constant 0 : i32
        %dma_start3A_97 = arith.constant 0 : i32
        %dma_start3A_98 = tpu.memref_slice %arg7[%dma_start3A_96, %dma_start3A_97] : memref<10112x128xf32, #tpu.memory_space<vmem_shared>> -> memref<10112x128xf32, #tpu.memory_space<vmem_shared>>
        tpu.enqueue_indirect_dma source(%arg10 : memref<125x128xf32, #tpu.memory_space<vmem>>) target(%dma_start3A_98 : memref<10112x128xf32, #tpu.memory_space<vmem_shared>>) offsets(%dma_start3A_95 : memref<125xi32, #tpu.memory_space<vmem>>) semaphore(%run_scoped3A : memref<!tpu.dma_semaphore, #tpu.memory_space<semaphore_mem>>) {add = true}
        %dma_wait3A_99 = arith.constant 0 : i32
        %dma_wait3A_100 = tpu.memref_slice %arg9[%mul3A_66, %dma_wait3A_99] : memref<40x125xi32, #tpu.memory_space<vmem>> -> memref<1x125xi32, #tpu.memory_space<vmem>>
        %dma_wait3A_101 = tpu.memref_squeeze %dma_wait3A_100 : memref<1x125xi32, #tpu.memory_space<vmem>> -> memref<125xi32, #tpu.memory_space<vmem>>
        %dma_wait3A_102 = arith.constant 0 : i32
        %dma_wait3A_103 = arith.constant 0 : i32
        %dma_wait3A_104 = tpu.memref_slice %arg7[%dma_wait3A_102, %dma_wait3A_103] : memref<10112x128xf32, #tpu.memory_space<vmem_shared>> -> memref<10112x128xf32, #tpu.memory_space<vmem_shared>>
        tpu.wait_indirect_dma semaphore(%run_scoped3A : memref<!tpu.dma_semaphore, #tpu.memory_space<semaphore_mem>>) src(%arg10 : memref<125x128xf32, #tpu.memory_space<vmem>>) dst(%dma_wait3A_104 : memref<10112x128xf32, #tpu.memory_space<vmem_shared>>)
        tpu.yield
      }) : () -> ()
      %add3A_72 = arith.constant 2 : i32
      %add3A_73 = arith.addi %mul3A_66, %add3A_72 : i32
      %lt3A = arith.constant 40 : i32
      %lt3A_74 = arith.cmpi slt, %add3A_73, %lt3A : i32
      %convert_element_type3A = arith.extui %lt3A_74 : i1 to i32
      %cond3A = arith.constant 0 : i32
      %cond3A_75 = arith.cmpi ne, %convert_element_type3A, %cond3A : i32
      scf.if %cond3A_75 {
        %add3A_93 = arith.constant 2 : i32
        %add3A_94 = arith.addi %mul3A_66, %add3A_93 : i32
        %dma_start3A_95 = arith.constant 0 : i32
        %dma_start3A_96 = tpu.memref_slice %arg8[%add3A_94, %dma_start3A_95] : memref<40x125xi32, #tpu.memory_space<vmem>> -> memref<1x125xi32, #tpu.memory_space<vmem>>
        %dma_start3A_97 = tpu.memref_squeeze %dma_start3A_96 : memref<1x125xi32, #tpu.memory_space<vmem>> -> memref<125xi32, #tpu.memory_space<vmem>>
        %dma_start3A_98 = arith.constant 0 : i32
        %dma_start3A_99 = arith.constant 0 : i32
        %dma_start3A_100 = tpu.memref_slice %arg2[%dma_start3A_98, %dma_start3A_99] : memref<10000x128xf32, #tpu.memory_space<hbm>> -> memref<10000x128xf32, #tpu.memory_space<hbm>>
        tpu.enqueue_indirect_dma source(%dma_start3A_100 : memref<10000x128xf32, #tpu.memory_space<hbm>>) target(%arg10 : memref<125x128xf32, #tpu.memory_space<vmem>>) offsets(%dma_start3A_97 : memref<125xi32, #tpu.memory_space<vmem>>) semaphore(%arg12 : memref<!tpu.dma_semaphore, #tpu.memory_space<semaphore_mem>>)
      } else {
      }
      %add3A_76 = arith.constant 1 : i32
      %add3A_77 = arith.addi %mul3A_66, %add3A_76 : i32
      %dma_wait3A_78 = arith.constant 0 : i32
      %dma_wait3A_79 = tpu.memref_slice %arg8[%add3A_77, %dma_wait3A_78] : memref<40x125xi32, #tpu.memory_space<vmem>> -> memref<1x125xi32, #tpu.memory_space<vmem>>
      %dma_wait3A_80 = tpu.memref_squeeze %dma_wait3A_79 : memref<1x125xi32, #tpu.memory_space<vmem>> -> memref<125xi32, #tpu.memory_space<vmem>>
      %dma_wait3A_81 = arith.constant 0 : i32
      %dma_wait3A_82 = arith.constant 0 : i32
      %dma_wait3A_83 = tpu.memref_slice %arg2[%dma_wait3A_81, %dma_wait3A_82] : memref<10000x128xf32, #tpu.memory_space<hbm>> -> memref<10000x128xf32, #tpu.memory_space<hbm>>
      tpu.wait_indirect_dma semaphore(%arg13 : memref<!tpu.dma_semaphore, #tpu.memory_space<semaphore_mem>>) src(%dma_wait3A_83 : memref<10000x128xf32, #tpu.memory_space<hbm>>) dst(%arg11 : memref<125x128xf32, #tpu.memory_space<vmem>>)
      %add3A_84 = arith.constant 1 : i32
      %add3A_85 = arith.addi %mul3A_66, %add3A_84 : i32
      "tpu.region"() ({
        %run_scoped3A = tpu.sem_alloc : memref<!tpu.dma_semaphore, #tpu.memory_space<semaphore_mem>>
        %dma_start3A_93 = arith.constant 0 : i32
        %dma_start3A_94 = tpu.memref_slice %arg9[%add3A_85, %dma_start3A_93] : memref<40x125xi32, #tpu.memory_space<vmem>> -> memref<1x125xi32, #tpu.memory_space<vmem>>
        %dma_start3A_95 = tpu.memref_squeeze %dma_start3A_94 : memref<1x125xi32, #tpu.memory_space<vmem>> -> memref<125xi32, #tpu.memory_space<vmem>>
        %dma_start3A_96 = arith.constant 0 : i32
        %dma_start3A_97 = arith.constant 0 : i32
        %dma_start3A_98 = tpu.memref_slice %arg7[%dma_start3A_96, %dma_start3A_97] : memref<10112x128xf32, #tpu.memory_space<vmem_shared>> -> memref<10112x128xf32, #tpu.memory_space<vmem_shared>>
        tpu.enqueue_indirect_dma source(%arg11 : memref<125x128xf32, #tpu.memory_space<vmem>>) target(%dma_start3A_98 : memref<10112x128xf32, #tpu.memory_space<vmem_shared>>) offsets(%dma_start3A_95 : memref<125xi32, #tpu.memory_space<vmem>>) semaphore(%run_scoped3A : memref<!tpu.dma_semaphore, #tpu.memory_space<semaphore_mem>>) {add = true}
        %dma_wait3A_99 = arith.constant 0 : i32
        %dma_wait3A_100 = tpu.memref_slice %arg9[%add3A_85, %dma_wait3A_99] : memref<40x125xi32, #tpu.memory_space<vmem>> -> memref<1x125xi32, #tpu.memory_space<vmem>>
        %dma_wait3A_101 = tpu.memref_squeeze %dma_wait3A_100 : memref<1x125xi32, #tpu.memory_space<vmem>> -> memref<125xi32, #tpu.memory_space<vmem>>
        %dma_wait3A_102 = arith.constant 0 : i32
        %dma_wait3A_103 = arith.constant 0 : i32
        %dma_wait3A_104 = tpu.memref_slice %arg7[%dma_wait3A_102, %dma_wait3A_103] : memref<10112x128xf32, #tpu.memory_space<vmem_shared>> -> memref<10112x128xf32, #tpu.memory_space<vmem_shared>>
        tpu.wait_indirect_dma semaphore(%run_scoped3A : memref<!tpu.dma_semaphore, #tpu.memory_space<semaphore_mem>>) src(%arg11 : memref<125x128xf32, #tpu.memory_space<vmem>>) dst(%dma_wait3A_104 : memref<10112x128xf32, #tpu.memory_space<vmem_shared>>)
        tpu.yield
      }) : () -> ()
      %add3A_86 = arith.constant 3 : i32
      %add3A_87 = arith.addi %mul3A_66, %add3A_86 : i32
      %lt3A_88 = arith.constant 40 : i32
      %lt3A_89 = arith.cmpi slt, %add3A_87, %lt3A_88 : i32
      %convert_element_type3A_90 = arith.extui %lt3A_89 : i1 to i32
      %cond3A_91 = arith.constant 0 : i32
      %cond3A_92 = arith.cmpi ne, %convert_element_type3A_90, %cond3A_91 : i32
      scf.if %cond3A_92 {
        %add3A_93 = arith.constant 3 : i32
        %add3A_94 = arith.addi %mul3A_66, %add3A_93 : i32
        %dma_start3A_95 = arith.constant 0 : i32
        %dma_start3A_96 = tpu.memref_slice %arg8[%add3A_94, %dma_start3A_95] : memref<40x125xi32, #tpu.memory_space<vmem>> -> memref<1x125xi32, #tpu.memory_space<vmem>>
        %dma_start3A_97 = tpu.memref_squeeze %dma_start3A_96 : memref<1x125xi32, #tpu.memory_space<vmem>> -> memref<125xi32, #tpu.memory_space<vmem>>
        %dma_start3A_98 = arith.constant 0 : i32
        %dma_start3A_99 = arith.constant 0 : i32
        %dma_start3A_100 = tpu.memref_slice %arg2[%dma_start3A_98, %dma_start3A_99] : memref<10000x128xf32, #tpu.memory_space<hbm>> -> memref<10000x128xf32, #tpu.memory_space<hbm>>
        tpu.enqueue_indirect_dma source(%dma_start3A_100 : memref<10000x128xf32, #tpu.memory_space<hbm>>) target(%arg11 : memref<125x128xf32, #tpu.memory_space<vmem>>) offsets(%dma_start3A_97 : memref<125xi32, #tpu.memory_space<vmem>>) semaphore(%arg13 : memref<!tpu.dma_semaphore, #tpu.memory_space<semaphore_mem>>)
      } else {
      }
    }
    %scan3A_30 = arith.constant 20 : i32
    %mul3A_31 = arith.constant 80 : i32
    %mul3A_32 = arith.muli %add3A, %mul3A_31 : i32
    %add3A_33 = arith.constant 40 : i32
    %add3A_34 = arith.addi %mul3A_32, %add3A_33 : i32
    "tpu.region"() ({
      %run_scoped3A = tpu.sem_alloc : memref<!tpu.dma_semaphore, #tpu.memory_space<semaphore_mem>>
      %dma_start3A_64 = arith.constant 0 : i32
      %dma_start3A_65 = tpu.memref_slice %arg3[%add3A_34, %dma_start3A_64] : memref<2560x125xi32, #tpu.memory_space<hbm>> -> memref<40x125xi32, #tpu.memory_space<hbm>>
      %dma_start3A_66 = arith.constant 0 : i32
      %dma_start3A_67 = tpu.memref_slice %arg3[%add3A_34, %dma_start3A_66] : memref<2560x125xi32, #tpu.memory_space<hbm>> -> memref<40x125xi32, #tpu.memory_space<hbm>>
      tpu.enqueue_dma source(%dma_start3A_67 : memref<40x125xi32, #tpu.memory_space<hbm>>) target(%arg8 : memref<40x125xi32, #tpu.memory_space<vmem>>) target_semaphore(%run_scoped3A : memref<!tpu.dma_semaphore, #tpu.memory_space<semaphore_mem>>)
      %dma_wait3A = arith.constant 0 : i32
      %dma_wait3A_68 = tpu.memref_slice %arg3[%add3A_34, %dma_wait3A] : memref<2560x125xi32, #tpu.memory_space<hbm>> -> memref<40x125xi32, #tpu.memory_space<hbm>>
      %dma_wait3A_69 = arith.constant 0 : i32
      %dma_wait3A_70 = tpu.memref_slice %arg3[%add3A_34, %dma_wait3A_69] : memref<2560x125xi32, #tpu.memory_space<hbm>> -> memref<40x125xi32, #tpu.memory_space<hbm>>
      tpu.wait_dma2 semaphore(%run_scoped3A : memref<!tpu.dma_semaphore, #tpu.memory_space<semaphore_mem>>) src(%dma_wait3A_70 : memref<40x125xi32, #tpu.memory_space<hbm>>) dst(%arg8 : memref<40x125xi32, #tpu.memory_space<vmem>>)
      tpu.yield
    }) : () -> ()
    %mul3A_35 = arith.constant 80 : i32
    %mul3A_36 = arith.muli %add3A, %mul3A_35 : i32
    %add3A_37 = arith.constant 40 : i32
    %add3A_38 = arith.addi %mul3A_36, %add3A_37 : i32
    "tpu.region"() ({
      %run_scoped3A = tpu.sem_alloc : memref<!tpu.dma_semaphore, #tpu.memory_space<semaphore_mem>>
      %dma_start3A_64 = arith.constant 0 : i32
      %dma_start3A_65 = tpu.memref_slice %arg4[%add3A_38, %dma_start3A_64] : memref<2560x125xi32, #tpu.memory_space<hbm>> -> memref<40x125xi32, #tpu.memory_space<hbm>>
      %dma_start3A_66 = arith.constant 0 : i32
      %dma_start3A_67 = tpu.memref_slice %arg4[%add3A_38, %dma_start3A_66] : memref<2560x125xi32, #tpu.memory_space<hbm>> -> memref<40x125xi32, #tpu.memory_space<hbm>>
      tpu.enqueue_dma source(%dma_start3A_67 : memref<40x125xi32, #tpu.memory_space<hbm>>) target(%arg9 : memref<40x125xi32, #tpu.memory_space<vmem>>) target_semaphore(%run_scoped3A : memref<!tpu.dma_semaphore, #tpu.memory_space<semaphore_mem>>)
      %dma_wait3A = arith.constant 0 : i32
      %dma_wait3A_68 = tpu.memref_slice %arg4[%add3A_38, %dma_wait3A] : memref<2560x125xi32, #tpu.memory_space<hbm>> -> memref<40x125xi32, #tpu.memory_space<hbm>>
      %dma_wait3A_69 = arith.constant 0 : i32
      %dma_wait3A_70 = tpu.memref_slice %arg4[%add3A_38, %dma_wait3A_69] : memref<2560x125xi32, #tpu.memory_space<hbm>> -> memref<40x125xi32, #tpu.memory_space<hbm>>
      tpu.wait_dma2 semaphore(%run_scoped3A : memref<!tpu.dma_semaphore, #tpu.memory_space<semaphore_mem>>) src(%dma_wait3A_70 : memref<40x125xi32, #tpu.memory_space<hbm>>) dst(%arg9 : memref<40x125xi32, #tpu.memory_space<vmem>>)
      tpu.yield
    }) : () -> ()
    %dma_start3A_39 = arith.constant 0 : i32
    %dma_start3A_40 = arith.constant 0 : i32
    %dma_start3A_41 = tpu.memref_slice %arg8[%dma_start3A_39, %dma_start3A_40] : memref<40x125xi32, #tpu.memory_space<vmem>> -> memref<1x125xi32, #tpu.memory_space<vmem>>
    %dma_start3A_42 = tpu.memref_squeeze %dma_start3A_41 : memref<1x125xi32, #tpu.memory_space<vmem>> -> memref<125xi32, #tpu.memory_space<vmem>>
    %dma_start3A_43 = arith.constant 0 : i32
    %dma_start3A_44 = arith.constant 0 : i32
    %dma_start3A_45 = tpu.memref_slice %arg2[%dma_start3A_43, %dma_start3A_44] : memref<10000x128xf32, #tpu.memory_space<hbm>> -> memref<10000x128xf32, #tpu.memory_space<hbm>>
    tpu.enqueue_indirect_dma source(%dma_start3A_45 : memref<10000x128xf32, #tpu.memory_space<hbm>>) target(%arg10 : memref<125x128xf32, #tpu.memory_space<vmem>>) offsets(%dma_start3A_42 : memref<125xi32, #tpu.memory_space<vmem>>) semaphore(%arg12 : memref<!tpu.dma_semaphore, #tpu.memory_space<semaphore_mem>>)
    %dma_start3A_46 = arith.constant 1 : i32
    %dma_start3A_47 = arith.constant 0 : i32
    %dma_start3A_48 = tpu.memref_slice %arg8[%dma_start3A_46, %dma_start3A_47] : memref<40x125xi32, #tpu.memory_space<vmem>> -> memref<1x125xi32, #tpu.memory_space<vmem>>
    %dma_start3A_49 = tpu.memref_squeeze %dma_start3A_48 : memref<1x125xi32, #tpu.memory_space<vmem>> -> memref<125xi32, #tpu.memory_space<vmem>>
    %dma_start3A_50 = arith.constant 0 : i32
    %dma_start3A_51 = arith.constant 0 : i32
    %dma_start3A_52 = tpu.memref_slice %arg2[%dma_start3A_50, %dma_start3A_51] : memref<10000x128xf32, #tpu.memory_space<hbm>> -> memref<10000x128xf32, #tpu.memory_space<hbm>>
    tpu.enqueue_indirect_dma source(%dma_start3A_52 : memref<10000x128xf32, #tpu.memory_space<hbm>>) target(%arg11 : memref<125x128xf32, #tpu.memory_space<vmem>>) offsets(%dma_start3A_49 : memref<125xi32, #tpu.memory_space<vmem>>) semaphore(%arg13 : memref<!tpu.dma_semaphore, #tpu.memory_space<semaphore_mem>>)
    %scan3A_53 = arith.constant 0 : i32
    %scan3A_54 = arith.constant 0 : i32
    %scan3A_55 = arith.constant 20 : i32
    %scan3A_56 = arith.addi %scan3A_54, %scan3A_55 : i32
    %scan3A_57 = arith.constant 1 : i32
    scf.for %scan3A_64 = %scan3A_54 to %scan3A_56 step %scan3A_57  : i32 {
      %mul3A_65 = arith.constant 2 : i32
      %mul3A_66 = arith.muli %mul3A_65, %scan3A_64 : i32
      %dma_wait3A = arith.constant 0 : i32
      %dma_wait3A_67 = tpu.memref_slice %arg8[%mul3A_66, %dma_wait3A] : memref<40x125xi32, #tpu.memory_space<vmem>> -> memref<1x125xi32, #tpu.memory_space<vmem>>
      %dma_wait3A_68 = tpu.memref_squeeze %dma_wait3A_67 : memref<1x125xi32, #tpu.memory_space<vmem>> -> memref<125xi32, #tpu.memory_space<vmem>>
      %dma_wait3A_69 = arith.constant 0 : i32
      %dma_wait3A_70 = arith.constant 0 : i32
      %dma_wait3A_71 = tpu.memref_slice %arg2[%dma_wait3A_69, %dma_wait3A_70] : memref<10000x128xf32, #tpu.memory_space<hbm>> -> memref<10000x128xf32, #tpu.memory_space<hbm>>
      tpu.wait_indirect_dma semaphore(%arg12 : memref<!tpu.dma_semaphore, #tpu.memory_space<semaphore_mem>>) src(%dma_wait3A_71 : memref<10000x128xf32, #tpu.memory_space<hbm>>) dst(%arg10 : memref<125x128xf32, #tpu.memory_space<vmem>>)
      "tpu.region"() ({
        %run_scoped3A = tpu.sem_alloc : memref<!tpu.dma_semaphore, #tpu.memory_space<semaphore_mem>>
        %dma_start3A_93 = arith.constant 0 : i32
        %dma_start3A_94 = tpu.memref_slice %arg9[%mul3A_66, %dma_start3A_93] : memref<40x125xi32, #tpu.memory_space<vmem>> -> memref<1x125xi32, #tpu.memory_space<vmem>>
        %dma_start3A_95 = tpu.memref_squeeze %dma_start3A_94 : memref<1x125xi32, #tpu.memory_space<vmem>> -> memref<125xi32, #tpu.memory_space<vmem>>
        %dma_start3A_96 = arith.constant 0 : i32
        %dma_start3A_97 = arith.constant 0 : i32
        %dma_start3A_98 = tpu.memref_slice %arg7[%dma_start3A_96, %dma_start3A_97] : memref<10112x128xf32, #tpu.memory_space<vmem_shared>> -> memref<10112x128xf32, #tpu.memory_space<vmem_shared>>
        tpu.enqueue_indirect_dma source(%arg10 : memref<125x128xf32, #tpu.memory_space<vmem>>) target(%dma_start3A_98 : memref<10112x128xf32, #tpu.memory_space<vmem_shared>>) offsets(%dma_start3A_95 : memref<125xi32, #tpu.memory_space<vmem>>) semaphore(%run_scoped3A : memref<!tpu.dma_semaphore, #tpu.memory_space<semaphore_mem>>) {add = true}
        %dma_wait3A_99 = arith.constant 0 : i32
        %dma_wait3A_100 = tpu.memref_slice %arg9[%mul3A_66, %dma_wait3A_99] : memref<40x125xi32, #tpu.memory_space<vmem>> -> memref<1x125xi32, #tpu.memory_space<vmem>>
        %dma_wait3A_101 = tpu.memref_squeeze %dma_wait3A_100 : memref<1x125xi32, #tpu.memory_space<vmem>> -> memref<125xi32, #tpu.memory_space<vmem>>
        %dma_wait3A_102 = arith.constant 0 : i32
        %dma_wait3A_103 = arith.constant 0 : i32
        %dma_wait3A_104 = tpu.memref_slice %arg7[%dma_wait3A_102, %dma_wait3A_103] : memref<10112x128xf32, #tpu.memory_space<vmem_shared>> -> memref<10112x128xf32, #tpu.memory_space<vmem_shared>>
        tpu.wait_indirect_dma semaphore(%run_scoped3A : memref<!tpu.dma_semaphore, #tpu.memory_space<semaphore_mem>>) src(%arg10 : memref<125x128xf32, #tpu.memory_space<vmem>>) dst(%dma_wait3A_104 : memref<10112x128xf32, #tpu.memory_space<vmem_shared>>)
        tpu.yield
      }) : () -> ()
      %add3A_72 = arith.constant 2 : i32
      %add3A_73 = arith.addi %mul3A_66, %add3A_72 : i32
      %lt3A = arith.constant 40 : i32
      %lt3A_74 = arith.cmpi slt, %add3A_73, %lt3A : i32
      %convert_element_type3A = arith.extui %lt3A_74 : i1 to i32
      %cond3A = arith.constant 0 : i32
      %cond3A_75 = arith.cmpi ne, %convert_element_type3A, %cond3A : i32
      scf.if %cond3A_75 {
        %add3A_93 = arith.constant 2 : i32
        %add3A_94 = arith.addi %mul3A_66, %add3A_93 : i32
        %dma_start3A_95 = arith.constant 0 : i32
        %dma_start3A_96 = tpu.memref_slice %arg8[%add3A_94, %dma_start3A_95] : memref<40x125xi32, #tpu.memory_space<vmem>> -> memref<1x125xi32, #tpu.memory_space<vmem>>
        %dma_start3A_97 = tpu.memref_squeeze %dma_start3A_96 : memref<1x125xi32, #tpu.memory_space<vmem>> -> memref<125xi32, #tpu.memory_space<vmem>>
        %dma_start3A_98 = arith.constant 0 : i32
        %dma_start3A_99 = arith.constant 0 : i32
        %dma_start3A_100 = tpu.memref_slice %arg2[%dma_start3A_98, %dma_start3A_99] : memref<10000x128xf32, #tpu.memory_space<hbm>> -> memref<10000x128xf32, #tpu.memory_space<hbm>>
        tpu.enqueue_indirect_dma source(%dma_start3A_100 : memref<10000x128xf32, #tpu.memory_space<hbm>>) target(%arg10 : memref<125x128xf32, #tpu.memory_space<vmem>>) offsets(%dma_start3A_97 : memref<125xi32, #tpu.memory_space<vmem>>) semaphore(%arg12 : memref<!tpu.dma_semaphore, #tpu.memory_space<semaphore_mem>>)
      } else {
      }
      %add3A_76 = arith.constant 1 : i32
      %add3A_77 = arith.addi %mul3A_66, %add3A_76 : i32
      %dma_wait3A_78 = arith.constant 0 : i32
      %dma_wait3A_79 = tpu.memref_slice %arg8[%add3A_77, %dma_wait3A_78] : memref<40x125xi32, #tpu.memory_space<vmem>> -> memref<1x125xi32, #tpu.memory_space<vmem>>
      %dma_wait3A_80 = tpu.memref_squeeze %dma_wait3A_79 : memref<1x125xi32, #tpu.memory_space<vmem>> -> memref<125xi32, #tpu.memory_space<vmem>>
      %dma_wait3A_81 = arith.constant 0 : i32
      %dma_wait3A_82 = arith.constant 0 : i32
      %dma_wait3A_83 = tpu.memref_slice %arg2[%dma_wait3A_81, %dma_wait3A_82] : memref<10000x128xf32, #tpu.memory_space<hbm>> -> memref<10000x128xf32, #tpu.memory_space<hbm>>
      tpu.wait_indirect_dma semaphore(%arg13 : memref<!tpu.dma_semaphore, #tpu.memory_space<semaphore_mem>>) src(%dma_wait3A_83 : memref<10000x128xf32, #tpu.memory_space<hbm>>) dst(%arg11 : memref<125x128xf32, #tpu.memory_space<vmem>>)
      %add3A_84 = arith.constant 1 : i32
      %add3A_85 = arith.addi %mul3A_66, %add3A_84 : i32
      "tpu.region"() ({
        %run_scoped3A = tpu.sem_alloc : memref<!tpu.dma_semaphore, #tpu.memory_space<semaphore_mem>>
        %dma_start3A_93 = arith.constant 0 : i32
        %dma_start3A_94 = tpu.memref_slice %arg9[%add3A_85, %dma_start3A_93] : memref<40x125xi32, #tpu.memory_space<vmem>> -> memref<1x125xi32, #tpu.memory_space<vmem>>
        %dma_start3A_95 = tpu.memref_squeeze %dma_start3A_94 : memref<1x125xi32, #tpu.memory_space<vmem>> -> memref<125xi32, #tpu.memory_space<vmem>>
        %dma_start3A_96 = arith.constant 0 : i32
        %dma_start3A_97 = arith.constant 0 : i32
        %dma_start3A_98 = tpu.memref_slice %arg7[%dma_start3A_96, %dma_start3A_97] : memref<10112x128xf32, #tpu.memory_space<vmem_shared>> -> memref<10112x128xf32, #tpu.memory_space<vmem_shared>>
        tpu.enqueue_indirect_dma source(%arg11 : memref<125x128xf32, #tpu.memory_space<vmem>>) target(%dma_start3A_98 : memref<10112x128xf32, #tpu.memory_space<vmem_shared>>) offsets(%dma_start3A_95 : memref<125xi32, #tpu.memory_space<vmem>>) semaphore(%run_scoped3A : memref<!tpu.dma_semaphore, #tpu.memory_space<semaphore_mem>>) {add = true}
        %dma_wait3A_99 = arith.constant 0 : i32
        %dma_wait3A_100 = tpu.memref_slice %arg9[%add3A_85, %dma_wait3A_99] : memref<40x125xi32, #tpu.memory_space<vmem>> -> memref<1x125xi32, #tpu.memory_space<vmem>>
        %dma_wait3A_101 = tpu.memref_squeeze %dma_wait3A_100 : memref<1x125xi32, #tpu.memory_space<vmem>> -> memref<125xi32, #tpu.memory_space<vmem>>
        %dma_wait3A_102 = arith.constant 0 : i32
        %dma_wait3A_103 = arith.constant 0 : i32
        %dma_wait3A_104 = tpu.memref_slice %arg7[%dma_wait3A_102, %dma_wait3A_103] : memref<10112x128xf32, #tpu.memory_space<vmem_shared>> -> memref<10112x128xf32, #tpu.memory_space<vmem_shared>>
        tpu.wait_indirect_dma semaphore(%run_scoped3A : memref<!tpu.dma_semaphore, #tpu.memory_space<semaphore_mem>>) src(%arg11 : memref<125x128xf32, #tpu.memory_space<vmem>>) dst(%dma_wait3A_104 : memref<10112x128xf32, #tpu.memory_space<vmem_shared>>)
        tpu.yield
      }) : () -> ()
      %add3A_86 = arith.constant 3 : i32
      %add3A_87 = arith.addi %mul3A_66, %add3A_86 : i32
      %lt3A_88 = arith.constant 40 : i32
      %lt3A_89 = arith.cmpi slt, %add3A_87, %lt3A_88 : i32
      %convert_element_type3A_90 = arith.extui %lt3A_89 : i1 to i32
      %cond3A_91 = arith.constant 0 : i32
      %cond3A_92 = arith.cmpi ne, %convert_element_type3A_90, %cond3A_91 : i32
      scf.if %cond3A_92 {
        %add3A_93 = arith.constant 3 : i32
        %add3A_94 = arith.addi %mul3A_66, %add3A_93 : i32
        %dma_start3A_95 = arith.constant 0 : i32
        %dma_start3A_96 = tpu.memref_slice %arg8[%add3A_94, %dma_start3A_95] : memref<40x125xi32, #tpu.memory_space<vmem>> -> memref<1x125xi32, #tpu.memory_space<vmem>>
        %dma_start3A_97 = tpu.memref_squeeze %dma_start3A_96 : memref<1x125xi32, #tpu.memory_space<vmem>> -> memref<125xi32, #tpu.memory_space<vmem>>
        %dma_start3A_98 = arith.constant 0 : i32
        %dma_start3A_99 = arith.constant 0 : i32
        %dma_start3A_100 = tpu.memref_slice %arg2[%dma_start3A_98, %dma_start3A_99] : memref<10000x128xf32, #tpu.memory_space<hbm>> -> memref<10000x128xf32, #tpu.memory_space<hbm>>
        tpu.enqueue_indirect_dma source(%dma_start3A_100 : memref<10000x128xf32, #tpu.memory_space<hbm>>) target(%arg11 : memref<125x128xf32, #tpu.memory_space<vmem>>) offsets(%dma_start3A_97 : memref<125xi32, #tpu.memory_space<vmem>>) semaphore(%arg13 : memref<!tpu.dma_semaphore, #tpu.memory_space<semaphore_mem>>)
      } else {
      }
    }
    %scan3A_58 = arith.constant 20 : i32
    %barrier3A_59 = arith.constant 0 : index
    tpu.barrier barrier_id(%barrier3A_59)
    %mul3A_60 = arith.constant 632 : i32
    %mul3A_61 = arith.muli %arg1, %mul3A_60 : i32
    %mul3A_62 = arith.constant 632 : i32
    %mul3A_63 = arith.muli %arg1, %mul3A_62 : i32
    "tpu.region"() ({
      %run_scoped3A = tpu.sem_alloc : memref<!tpu.dma_semaphore, #tpu.memory_space<semaphore_mem>>
      %dma_start3A_64 = arith.constant 0 : i32
      %dma_start3A_65 = tpu.memref_slice %arg6[%arg0, %mul3A_63, %dma_start3A_64] : memref<2x10112x128xf32, #tpu.memory_space<hbm>> -> memref<1x632x128xf32, #tpu.memory_space<hbm>>
      %dma_start3A_66 = tpu.memref_squeeze %dma_start3A_65 : memref<1x632x128xf32, #tpu.memory_space<hbm>> -> memref<632x128xf32, #tpu.memory_space<hbm>>
      %dma_start3A_67 = arith.constant 0 : i32
      %dma_start3A_68 = tpu.memref_slice %arg7[%mul3A_61, %dma_start3A_67] : memref<10112x128xf32, #tpu.memory_space<vmem_shared>> -> memref<632x128xf32, #tpu.memory_space<vmem_shared>>
      tpu.enqueue_dma source(%dma_start3A_68 : memref<632x128xf32, #tpu.memory_space<vmem_shared>>) target(%dma_start3A_66 : memref<632x128xf32, #tpu.memory_space<hbm>>) target_semaphore(%run_scoped3A : memref<!tpu.dma_semaphore, #tpu.memory_space<semaphore_mem>>)
      %dma_wait3A = arith.constant 0 : i32
      %dma_wait3A_69 = tpu.memref_slice %arg6[%arg0, %mul3A_63, %dma_wait3A] : memref<2x10112x128xf32, #tpu.memory_space<hbm>> -> memref<1x632x128xf32, #tpu.memory_space<hbm>>
      %dma_wait3A_70 = tpu.memref_squeeze %dma_wait3A_69 : memref<1x632x128xf32, #tpu.memory_space<hbm>> -> memref<632x128xf32, #tpu.memory_space<hbm>>
      %dma_wait3A_71 = arith.constant 0 : i32
      %dma_wait3A_72 = tpu.memref_slice %arg7[%mul3A_61, %dma_wait3A_71] : memref<10112x128xf32, #tpu.memory_space<vmem_shared>> -> memref<632x128xf32, #tpu.memory_space<vmem_shared>>
      tpu.wait_dma2 semaphore(%run_scoped3A : memref<!tpu.dma_semaphore, #tpu.memory_space<semaphore_mem>>) src(%dma_wait3A_72 : memref<632x128xf32, #tpu.memory_space<vmem_shared>>) dst(%dma_wait3A_70 : memref<632x128xf32, #tpu.memory_space<hbm>>)
      tpu.yield
    }) : () -> ()
    return
  }
}

module attributes {stable_mosaic.version = 14 : i64} {
  func.func @_mid_body(%arg0: i32, %arg1: memref<2000x128xf32, #tpu.memory_space<vmem>>, %arg2: memref<2x2000x128xf32, #tpu.memory_space<vmem>>, %arg3: memref<2x2000x128xf32, #tpu.memory_space<vmem>>, %arg4: memref<128x128xf32, #tpu.memory_space<vmem>>, %arg5: memref<128x128xf32, #tpu.memory_space<vmem>>, %arg6: memref<1x128xf32, #tpu.memory_space<vmem>>, %arg7: memref<2000x128xf32, #tpu.memory_space<vmem>>) attributes {dimension_semantics = [#tpu.dimension_semantics<arbitrary>], iteration_bounds = array<i64: 5>, scalar_prefetch = 0 : i64, scratch_operands = 0 : i64, tpu.core_type = #tpu.core_type<tc>, window_params = [{transform_indices = @transform_0, window_bounds = array<i64: 2000, 128>}, {transform_indices = @transform_1, window_bounds = array<i64: 2, 2000, 128>}, {transform_indices = @transform_2, window_bounds = array<i64: 2, 2000, 128>}, {pipeline_mode = #tpu.pipeline_mode<synchronous>, transform_indices = @transform_3, window_bounds = array<i64: 128, 128>}, {pipeline_mode = #tpu.pipeline_mode<synchronous>, transform_indices = @transform_4, window_bounds = array<i64: 128, 128>}, {pipeline_mode = #tpu.pipeline_mode<synchronous>, transform_indices = @transform_5, window_bounds = array<i64: 1, 128>}, {transform_indices = @transform_6, window_bounds = array<i64: 2000, 128>}]} {
    %get3A = arith.constant 0 : index
    %get3A_0 = arith.constant 0 : index
    %get3A_1 = arith.constant 0 : index
    %get3A_2 = vector.load %arg2[%get3A, %get3A_0, %get3A_1] : memref<2x2000x128xf32, #tpu.memory_space<vmem>>, vector<1x2000x128xf32>
    %get3A_3 = vector.shape_cast %get3A_2 : vector<1x2000x128xf32> to vector<2000x128xf32>
    %get3A_4 = arith.constant 1 : index
    %get3A_5 = arith.constant 0 : index
    %get3A_6 = arith.constant 0 : index
    %get3A_7 = vector.load %arg2[%get3A_4, %get3A_5, %get3A_6] : memref<2x2000x128xf32, #tpu.memory_space<vmem>>, vector<1x2000x128xf32>
    %get3A_8 = vector.shape_cast %get3A_7 : vector<1x2000x128xf32> to vector<2000x128xf32>
    %add3A = arith.addf %get3A_3, %get3A_8 : vector<2000x128xf32>
    %get3A_9 = arith.constant 0 : index
    %get3A_10 = arith.constant 0 : index
    %get3A_11 = arith.constant 0 : index
    %get3A_12 = vector.load %arg3[%get3A_9, %get3A_10, %get3A_11] : memref<2x2000x128xf32, #tpu.memory_space<vmem>>, vector<1x2000x128xf32>
    %get3A_13 = vector.shape_cast %get3A_12 : vector<1x2000x128xf32> to vector<2000x128xf32>
    %get3A_14 = arith.constant 1 : index
    %get3A_15 = arith.constant 0 : index
    %get3A_16 = arith.constant 0 : index
    %get3A_17 = vector.load %arg3[%get3A_14, %get3A_15, %get3A_16] : memref<2x2000x128xf32, #tpu.memory_space<vmem>>, vector<1x2000x128xf32>
    %get3A_18 = vector.shape_cast %get3A_17 : vector<1x2000x128xf32> to vector<2000x128xf32>
    %add3A_19 = arith.addf %get3A_13, %get3A_18 : vector<2000x128xf32>
    %max3A = arith.constant 1.000000e+00 : f32
    %max3A_20 = vector.broadcast %max3A : f32 to vector<2000x128xf32>
    %max3A_21 = arith.maximumf %add3A_19, %max3A_20 : vector<2000x128xf32>
    %div3A = arith.constant 1.000000e+00 : f32
    %div3A_22 = vector.broadcast %div3A : f32 to vector<2000x128xf32>
    %div3A_23 = arith.divf %div3A_22, %max3A_21 : vector<2000x128xf32>
    %get3A_24 = arith.constant 0 : index
    %get3A_25 = arith.constant 0 : index
    %get3A_26 = vector.load %arg1[%get3A_24, %get3A_25] : memref<2000x128xf32, #tpu.memory_space<vmem>>, vector<2000x128xf32>
    %get3A_27 = arith.constant 0 : index
    %get3A_28 = arith.constant 0 : index
    %get3A_29 = vector.load %arg4[%get3A_27, %get3A_28] : memref<128x128xf32, #tpu.memory_space<vmem>>, vector<128x128xf32>
    %dot_general3A = arith.constant dense<0.000000e+00> : vector<2000x128xf32>
    %dot_general3A_30 = tpu.matmul %get3A_26, %get3A_29, %dot_general3A {dimension_numbers = #tpu.dot_dimension_numbers<[1], [0], [0], [1], [0, 0, 1, 1], [], []>, transpose_lhs_hint = false} : vector<2000x128xf32>, vector<128x128xf32>, vector<2000x128xf32> -> vector<2000x128xf32>
    %mul3A = arith.mulf %add3A, %div3A_23 : vector<2000x128xf32>
    %get3A_31 = arith.constant 0 : index
    %get3A_32 = arith.constant 0 : index
    %get3A_33 = vector.load %arg5[%get3A_31, %get3A_32] : memref<128x128xf32, #tpu.memory_space<vmem>>, vector<128x128xf32>
    %dot_general3A_34 = arith.constant dense<0.000000e+00> : vector<2000x128xf32>
    %dot_general3A_35 = tpu.matmul %mul3A, %get3A_33, %dot_general3A_34 {dimension_numbers = #tpu.dot_dimension_numbers<[1], [0], [0], [1], [0, 0, 1, 1], [], []>, transpose_lhs_hint = false} : vector<2000x128xf32>, vector<128x128xf32>, vector<2000x128xf32> -> vector<2000x128xf32>
    %add3A_36 = arith.addf %dot_general3A_30, %dot_general3A_35 : vector<2000x128xf32>
    %get3A_37 = arith.constant 0 : index
    %get3A_38 = arith.constant 0 : index
    %get3A_39 = vector.load %arg6[%get3A_37, %get3A_38] : memref<1x128xf32, #tpu.memory_space<vmem>>, vector<1x128xf32>
    %add3A_40 = vector.broadcast %get3A_39 : vector<1x128xf32> to vector<2000x128xf32>
    %add3A_41 = arith.addf %add3A_36, %add3A_40 : vector<2000x128xf32>
    %max3A_42 = arith.constant 0.000000e+00 : f32
    %max3A_43 = vector.broadcast %max3A_42 : f32 to vector<2000x128xf32>
    %max3A_44 = arith.maximumf %add3A_41, %max3A_43 : vector<2000x128xf32>
    %swap3A = arith.constant 0 : index
    %swap3A_45 = arith.constant 0 : index
    %swap3A_46 = vector.load %arg7[%swap3A, %swap3A_45] : memref<2000x128xf32, #tpu.memory_space<vmem>>, vector<2000x128xf32>
    tpu.vector_store %arg7[%swap3A, %swap3A_45], %max3A_44 {strides = array<i32>} : memref<2000x128xf32, #tpu.memory_space<vmem>>, vector<2000x128xf32>,
    return
  }
  func.func @transform_0(%arg0: i32) -> (i32, i32) {
    %c0_i32 = arith.constant 0 : i32
    %c0_i32_0 = arith.constant 0 : i32
    return %arg0, %c0_i32 : i32, i32
  }
  func.func @transform_1(%arg0: i32) -> (i32, i32, i32) {
    %c0_i32 = arith.constant 0 : i32
    %c0_i32_0 = arith.constant 0 : i32
    %c0_i32_1 = arith.constant 0 : i32
    return %c0_i32, %arg0, %c0_i32_0 : i32, i32, i32
  }
  func.func @transform_2(%arg0: i32) -> (i32, i32, i32) {
    %c0_i32 = arith.constant 0 : i32
    %c0_i32_0 = arith.constant 0 : i32
    %c0_i32_1 = arith.constant 0 : i32
    return %c0_i32, %arg0, %c0_i32_0 : i32, i32, i32
  }
  func.func @transform_3(%arg0: i32) -> (i32, i32) {
    %c0_i32 = arith.constant 0 : i32
    %c0_i32_0 = arith.constant 0 : i32
    %c0_i32_1 = arith.constant 0 : i32
    return %c0_i32, %c0_i32_0 : i32, i32
  }
  func.func @transform_4(%arg0: i32) -> (i32, i32) {
    %c0_i32 = arith.constant 0 : i32
    %c0_i32_0 = arith.constant 0 : i32
    %c0_i32_1 = arith.constant 0 : i32
    return %c0_i32, %c0_i32_0 : i32, i32
  }
  func.func @transform_5(%arg0: i32) -> (i32, i32) {
    %c0_i32 = arith.constant 0 : i32
    %c0_i32_0 = arith.constant 0 : i32
    %c0_i32_1 = arith.constant 0 : i32
    return %c0_i32, %c0_i32_0 : i32, i32
  }
  func.func @transform_6(%arg0: i32) -> (i32, i32) {
    %c0_i32 = arith.constant 0 : i32
    %c0_i32_0 = arith.constant 0 : i32
    return %arg0, %c0_i32 : i32, i32
  }
}

module attributes {stable_mosaic.version = 14 : i64} {
  func.func @_final_body(%arg0: i32, %arg1: memref<2000x128xf32, #tpu.memory_space<vmem>>, %arg2: memref<2x2000x128xf32, #tpu.memory_space<vmem>>, %arg3: memref<2x2000x128xf32, #tpu.memory_space<vmem>>, %arg4: memref<128x64xf32, #tpu.memory_space<vmem>>, %arg5: memref<128x64xf32, #tpu.memory_space<vmem>>, %arg6: memref<1x64xf32, #tpu.memory_space<vmem>>, %arg7: memref<2000x64xf32, #tpu.memory_space<vmem>>) attributes {dimension_semantics = [#tpu.dimension_semantics<arbitrary>], iteration_bounds = array<i64: 5>, scalar_prefetch = 0 : i64, scratch_operands = 0 : i64, tpu.core_type = #tpu.core_type<tc>, window_params = [{transform_indices = @transform_0, window_bounds = array<i64: 2000, 128>}, {transform_indices = @transform_1, window_bounds = array<i64: 2, 2000, 128>}, {transform_indices = @transform_2, window_bounds = array<i64: 2, 2000, 128>}, {pipeline_mode = #tpu.pipeline_mode<synchronous>, transform_indices = @transform_3, window_bounds = array<i64: 128, 64>}, {pipeline_mode = #tpu.pipeline_mode<synchronous>, transform_indices = @transform_4, window_bounds = array<i64: 128, 64>}, {pipeline_mode = #tpu.pipeline_mode<synchronous>, transform_indices = @transform_5, window_bounds = array<i64: 1, 64>}, {transform_indices = @transform_6, window_bounds = array<i64: 2000, 64>}]} {
    %get3A = arith.constant 0 : index
    %get3A_0 = arith.constant 0 : index
    %get3A_1 = arith.constant 0 : index
    %get3A_2 = vector.load %arg2[%get3A, %get3A_0, %get3A_1] : memref<2x2000x128xf32, #tpu.memory_space<vmem>>, vector<1x2000x128xf32>
    %get3A_3 = vector.shape_cast %get3A_2 : vector<1x2000x128xf32> to vector<2000x128xf32>
    %get3A_4 = arith.constant 1 : index
    %get3A_5 = arith.constant 0 : index
    %get3A_6 = arith.constant 0 : index
    %get3A_7 = vector.load %arg2[%get3A_4, %get3A_5, %get3A_6] : memref<2x2000x128xf32, #tpu.memory_space<vmem>>, vector<1x2000x128xf32>
    %get3A_8 = vector.shape_cast %get3A_7 : vector<1x2000x128xf32> to vector<2000x128xf32>
    %add3A = arith.addf %get3A_3, %get3A_8 : vector<2000x128xf32>
    %get3A_9 = arith.constant 0 : index
    %get3A_10 = arith.constant 0 : index
    %get3A_11 = arith.constant 0 : index
    %get3A_12 = vector.load %arg3[%get3A_9, %get3A_10, %get3A_11] : memref<2x2000x128xf32, #tpu.memory_space<vmem>>, vector<1x2000x128xf32>
    %get3A_13 = vector.shape_cast %get3A_12 : vector<1x2000x128xf32> to vector<2000x128xf32>
    %get3A_14 = arith.constant 1 : index
    %get3A_15 = arith.constant 0 : index
    %get3A_16 = arith.constant 0 : index
    %get3A_17 = vector.load %arg3[%get3A_14, %get3A_15, %get3A_16] : memref<2x2000x128xf32, #tpu.memory_space<vmem>>, vector<1x2000x128xf32>
    %get3A_18 = vector.shape_cast %get3A_17 : vector<1x2000x128xf32> to vector<2000x128xf32>
    %add3A_19 = arith.addf %get3A_13, %get3A_18 : vector<2000x128xf32>
    %max3A = arith.constant 1.000000e+00 : f32
    %max3A_20 = vector.broadcast %max3A : f32 to vector<2000x128xf32>
    %max3A_21 = arith.maximumf %add3A_19, %max3A_20 : vector<2000x128xf32>
    %div3A = arith.constant 1.000000e+00 : f32
    %div3A_22 = vector.broadcast %div3A : f32 to vector<2000x128xf32>
    %div3A_23 = arith.divf %div3A_22, %max3A_21 : vector<2000x128xf32>
    %get3A_24 = arith.constant 0 : index
    %get3A_25 = arith.constant 0 : index
    %get3A_26 = vector.load %arg1[%get3A_24, %get3A_25] : memref<2000x128xf32, #tpu.memory_space<vmem>>, vector<2000x128xf32>
    %get3A_27 = arith.constant 0 : index
    %get3A_28 = arith.constant 0 : index
    %get3A_29 = vector.load %arg4[%get3A_27, %get3A_28] : memref<128x64xf32, #tpu.memory_space<vmem>>, vector<128x64xf32>
    %dot_general3A = arith.constant dense<0.000000e+00> : vector<2000x64xf32>
    %dot_general3A_30 = tpu.matmul %get3A_26, %get3A_29, %dot_general3A {dimension_numbers = #tpu.dot_dimension_numbers<[1], [0], [0], [1], [0, 0, 1, 1], [], []>, transpose_lhs_hint = false} : vector<2000x128xf32>, vector<128x64xf32>, vector<2000x64xf32> -> vector<2000x64xf32>
    %mul3A = arith.mulf %add3A, %div3A_23 : vector<2000x128xf32>
    %get3A_31 = arith.constant 0 : index
    %get3A_32 = arith.constant 0 : index
    %get3A_33 = vector.load %arg5[%get3A_31, %get3A_32] : memref<128x64xf32, #tpu.memory_space<vmem>>, vector<128x64xf32>
    %dot_general3A_34 = arith.constant dense<0.000000e+00> : vector<2000x64xf32>
    %dot_general3A_35 = tpu.matmul %mul3A, %get3A_33, %dot_general3A_34 {dimension_numbers = #tpu.dot_dimension_numbers<[1], [0], [0], [1], [0, 0, 1, 1], [], []>, transpose_lhs_hint = false} : vector<2000x128xf32>, vector<128x64xf32>, vector<2000x64xf32> -> vector<2000x64xf32>
    %add3A_36 = arith.addf %dot_general3A_30, %dot_general3A_35 : vector<2000x64xf32>
    %get3A_37 = arith.constant 0 : index
    %get3A_38 = arith.constant 0 : index
    %get3A_39 = vector.load %arg6[%get3A_37, %get3A_38] : memref<1x64xf32, #tpu.memory_space<vmem>>, vector<1x64xf32>
    %add3A_40 = vector.broadcast %get3A_39 : vector<1x64xf32> to vector<2000x64xf32>
    %add3A_41 = arith.addf %add3A_36, %add3A_40 : vector<2000x64xf32>
    %swap3A = arith.constant 0 : index
    %swap3A_42 = arith.constant 0 : index
    %swap3A_43 = vector.load %arg7[%swap3A, %swap3A_42] : memref<2000x64xf32, #tpu.memory_space<vmem>>, vector<2000x64xf32>
    tpu.vector_store %arg7[%swap3A, %swap3A_42], %add3A_41 {strides = array<i32>} : memref<2000x64xf32, #tpu.memory_space<vmem>>, vector<2000x64xf32>,
    return
  }
  func.func @transform_0(%arg0: i32) -> (i32, i32) {
    %c0_i32 = arith.constant 0 : i32
    %c0_i32_0 = arith.constant 0 : i32
    return %arg0, %c0_i32 : i32, i32
  }
  func.func @transform_1(%arg0: i32) -> (i32, i32, i32) {
    %c0_i32 = arith.constant 0 : i32
    %c0_i32_0 = arith.constant 0 : i32
    %c0_i32_1 = arith.constant 0 : i32
    return %c0_i32, %arg0, %c0_i32_0 : i32, i32, i32
  }
  func.func @transform_2(%arg0: i32) -> (i32, i32, i32) {
    %c0_i32 = arith.constant 0 : i32
    %c0_i32_0 = arith.constant 0 : i32
    %c0_i32_1 = arith.constant 0 : i32
    return %c0_i32, %arg0, %c0_i32_0 : i32, i32, i32
  }
  func.func @transform_3(%arg0: i32) -> (i32, i32) {
    %c0_i32 = arith.constant 0 : i32
    %c0_i32_0 = arith.constant 0 : i32
    %c0_i32_1 = arith.constant 0 : i32
    return %c0_i32, %c0_i32_0 : i32, i32
  }
  func.func @transform_4(%arg0: i32) -> (i32, i32) {
    %c0_i32 = arith.constant 0 : i32
    %c0_i32_0 = arith.constant 0 : i32
    %c0_i32_1 = arith.constant 0 : i32
    return %c0_i32, %c0_i32_0 : i32, i32
  }
  func.func @transform_5(%arg0: i32) -> (i32, i32) {
    %c0_i32 = arith.constant 0 : i32
    %c0_i32_0 = arith.constant 0 : i32
    %c0_i32_1 = arith.constant 0 : i32
    return %c0_i32, %c0_i32_0 : i32, i32
  }
  func.func @transform_6(%arg0: i32) -> (i32, i32) {
    %c0_i32 = arith.constant 0 : i32
    %c0_i32_0 = arith.constant 0 : i32
    return %arg0, %c0_i32 : i32, i32
  }
}

</mosaic_0001>

<sc_bundles>
// kernel: kernel.6.cloned.1.call-start
scs
__scs_entry_jumppad:
0x0: {  	(pc) =	sbr.rel $0x88, $3  }
0x1: {  	(tag) =	ssettag $0x0;
	lr =	simm.s32 $0x1  }
0x2: {  	[smem:$0x3F99] =	sst lr;
	_ =	strace $0xD0000000  }
0x3: {  	_ = 	snop  }
0x4: {  	_ = 	snop  }
0x5: {  	_ = 	snop  }
0x6: {  	_ = 	snop  }
0x7: {  	_ = 	snop  }
__scs_overlays_trampoline_lowered:
0x8: {  	[smem:$0x3FA8] =	sst s0  }
0x9: {  	[smem:$0x3FA9] =	sst s1  }
0xa: {  	[smem:$0x3FAA] =	sst s2  }
0xb: {  	[smem:$0x3FAB] =	sst s3  }
0xc: {  	[smem:$0x3FAC] =	sst s4  }
0xd: {  	[smem:$0x3FAD] =	sst s5  }
0xe: {  	[smem:$0x3FAE] =	sst s6  }
0xf: {  	[smem:$0x3FAF] =	sst s7  }
0x10: {  	[smem:$0x3FB0] =	sst s8  }
0x11: {  	[smem:$0x3FB1] =	sst s9;
	s0 =	simm.s32 @!p0 $0x0  }
0x12: {  	s1 =	sld [smem:$0x3F97];
	s0 =	simm.s32 @p0 $0x1  }
0x13: {  	[smem:$0x3FB2] =	sst s0;
	s0 =	simm.s32 @!p1 $0x0  }
0x14: {  	s2 =	sld [smem:$0x3F96];
	s0 =	simm.s32 @p1 $0x1  }
0x15: {  	[smem:$0x3FB3] =	sst s0;
	s0 =	simm.s32 @!p2 $0x0  }
0x16: {  	s3 =	sld [smem:$0x3FDB];
	s0 =	simm.s32 @p2 $0x1  }
0x17: {  	s4 =	simm.s32 $0x1BF5;
	[smem:$0x3FB5] =	sst s0  }
0x18: {  	s0 =	sld [smem:$0x3F98];
	_ =	swait.ge [sflag:s4], $0x0  }
0x19: {  	s7 =	sld [smem:$0x3F99]  }
0x1a: {  	s8 =	sadd.s32 $0xFFFFE003, lr  }
0x1b: {  	s9 =	sadd.s32 $0xFFFFFEF7, lr;
	s5 =	simm.s32 $0xFFFFFFFF;
	p2 =	slt.u32 s8, $0xFFFFF086  }
0x1c: {  	p1 =	slt.u32 s9, $0xF7A;
	s5 =	simm.s32 @!p2 $0x0  }
0x1d: {  	s5 =	simm.s32 @p1 $0x1;
	p0 =	seq.s32 s7, s2  }
0x1e: {  	s7 =	smul.u32 @!p0 $0xF7A, s2;
	p2 =	seq.s32 @!p0 s5, $0x0  }
0x1f: {  	s9 =	smul.u32 $0xF7A, s1;
	s8 =	simm.s32 @!p0 $0x1BF5;
	p2 =	por !p2, p0  }
0x20: {  	[sflag:s8] =	ssyncset.s32 @!p0 $0xFFFFF086;
	s6 =	sadd.s32 @!p0 s3, s7;
	s7 =	simm.s32 @!p0 $0x108  }
0x21: {  	s3 =	sadd.s32 s3, s9;
	s6 =	sadd.s32 @!p0 $0x88, s6;
	s7 =	simm.s32 @p2 $0x1082  }
0x22: {  	[simem:s7], [sflag:s8] =	dma.local @!p0 [hbm:s6], $0xF7A  }
0x23: {  	s9 =	sor.u32 $0xD0000000, s2;
	s6 =	simm.s32 $0x108;
	_ =	swait.ge @!p0 [sflag:s8], $0x0  }
0x24: {  	s3 =	sadd.s32 $0x88, s3;
	s6 =	simm.s32 @!p1 $0x1082;
	[sflag:s4] =	ssyncset.s32 $0xFFFFF086  }
0x25: {  	[simem:s6], [sflag:s4] =	dma.local [hbm:s3], $0xF7A  }
0x26: {  	[smem:$0x3F99] =	sst s1;
	(tag) =	ssettag s2;
	_ =	strace s9  }
0x27: {  	s1 =	sld [smem:$0x3FA9]  }
0x28: {  	s2 =	sld [smem:$0x3FAA]  }
0x29: {  	s4 =	sld [smem:$0x3FAC]  }
0x2a: {  	p0 =	seq.s32 s5, $0x0;
	s5 =	sld [smem:$0x3FAD]  }
0x2b: {  	s6 =	sld [smem:$0x3FAE]  }
0x2c: {  	s7 =	sld [smem:$0x3FAF]  }
0x2d: {  	s3 =	simm.s32 $0x108;
	s8 =	sld [smem:$0x3FB0]  }
0x2e: {  	s3 =	simm.s32 @!p0 $0x1082;
	s9 =	sld [smem:$0x3FB1]  }
0x2f: {  	lr =	sadd.s32 s0, s3;
	s0 =	sld [smem:$0x3FA8]  }
0x30: {  	s3 =	sld [smem:$0x3FAB]  }
0x31: {  	[smem:$0x3FB4] =	sst s10  }
0x32: {  	s10 =	sld [smem:$0x3FB2];
	_ =	sdelay $0x3  }
0x33: {  	p0 =	seq.s32 s10, $0x1;
	s10 =	sld [smem:$0x3FB4];
	_ =	sdelay $0x3  }
0x34: {  	[smem:$0x3FB4] =	sst s10  }
0x35: {  	s10 =	sld [smem:$0x3FB3];
	_ =	sdelay $0x3  }
0x36: {  	p1 =	seq.s32 s10, $0x1;
	s10 =	sld [smem:$0x3FB4];
	_ =	sdelay $0x3  }
0x37: {  	[smem:$0x3FB4] =	sst s10  }
0x38: {  	s10 =	sld [smem:$0x3FB5]  }
0x39: {  	_ = 	snop;
	(pc) =	sbr.ind lr, $3  }
0x3a: {  	_ = 	snop  }
0x3b: {  	_ = 	snop  }
0x3c: {  	p2 =	seq.s32 s10, $0x1;
	s10 =	sld [smem:$0x3FB4]  }
0x3d: {  	_ =	shalt  }
0x3e: {  	_ =	shalt  }
0x3f: {  	_ =	shalt  }
0x40: {  	_ =	shalt  }
0x41: {  	_ =	shalt  }
0x42: {  	_ =	shalt  }
0x43: {  	_ =	shalt  }
0x44: {  	_ =	shalt  }
0x45: {  	_ =	shalt  }
0x46: {  	_ =	shalt  }
0x47: {  	_ =	shalt  }
0x48: {  	_ =	shalt  }
0x49: {  	_ =	shalt  }
0x4a: {  	_ =	shalt  }
0x4b: {  	_ =	shalt  }
0x4c: {  	_ =	shalt  }
0x4d: {  	_ =	shalt  }
0x4e: {  	_ =	shalt  }
0x4f: {  	_ =	shalt  }
0x50: {  	_ =	shalt  }
0x51: {  	_ =	shalt  }
0x52: {  	_ =	shalt  }
0x53: {  	_ =	shalt  }
0x54: {  	_ =	shalt  }
0x55: {  	_ =	shalt  }
0x56: {  	_ =	shalt  }
0x57: {  	_ =	shalt  }
0x58: {  	_ =	shalt  }
0x59: {  	_ =	shalt  }
0x5a: {  	_ =	shalt  }
0x5b: {  	_ =	shalt  }
0x5c: {  	_ =	shalt  }
0x5d: {  	_ =	shalt  }
0x5e: {  	_ =	shalt  }
0x5f: {  	_ =	shalt  }
0x60: {  	_ =	shalt  }
0x61: {  	_ =	shalt  }
0x62: {  	_ =	shalt  }
0x63: {  	_ =	shalt  }
0x64: {  	_ =	shalt  }
0x65: {  	_ =	shalt  }
0x66: {  	_ =	shalt  }
0x67: {  	_ =	shalt  }
0x68: {  	_ =	shalt  }
0x69: {  	_ =	shalt  }
0x6a: {  	_ =	shalt  }
0x6b: {  	_ =	shalt  }
0x6c: {  	_ =	shalt  }
0x6d: {  	_ =	shalt  }
0x6e: {  	_ =	shalt  }
0x6f: {  	_ =	shalt  }
0x70: {  	_ =	shalt  }
0x71: {  	_ =	shalt  }
0x72: {  	_ =	shalt  }
0x73: {  	_ =	shalt  }
0x74: {  	_ =	shalt  }
0x75: {  	_ =	shalt  }
0x76: {  	_ =	shalt  }
0x77: {  	_ =	shalt  }
0x78: {  	_ =	shalt  }
0x79: {  	_ =	shalt  }
0x7a: {  	_ =	shalt  }
0x7b: {  	_ =	shalt  }
0x7c: {  	_ =	shalt  }
0x7d: {  	_ =	shalt  }
0x7e: {  	_ =	shalt  }
0x7f: {  	_ =	shalt  }
0x80: {  	_ =	shalt  }
0x81: {  	_ =	shalt  }
0x82: {  	_ =	shalt  }
0x83: {  	_ =	shalt  }
0x84: {  	_ =	shalt  }
0x85: {  	_ =	shalt  }
0x86: {  	_ =	shalt  }
0x87: {  	_ =	shalt  }
.Lfunc_end0:
.L_simem_size_0:
called_computation_lowered:
.L_overlay_start_0:
0x88: {  	s2 =	sld [smem:$0x3FD9]  }
0x89: {  	s3 =	sld [smem:$0x3FFE];
	_ =	sdelay $0x1  }
0x8a: {  	s1 =	srdreg.scid  }
0x8b: {  	s0 =	sand.u32 $0x1, s1  }
0x8c: {  	s17 =	sshll.u32 s0, $0xA;
	s2 =	sadd.s32 s3, s2  }
0x8d: {  	s2 =	sadd.s32 s2, s17  }
0x8e: {  	[smem:$0x3FC0] =	sst s2  }
0x8f: {  	_ = 	snop  }
0x90: {  	s2 =	sld [smem:$0x3FC9]  }
0x91: {  	s18 =	sld [smem:$0x3FD0];
	(tm) =	ssettm $0x1  }
0x92: {  	s4 =	sld [smem:$0x3FFB];
	_ =	sdelay $0x3  }
0x93: {  	_ =	strace s4  }
0x94: {  	s4 =	sld [smem:$0x3FFC];
	_ =	sdelay $0x3  }
0x95: {  	_ =	strace s4  }
0x96: {  	s4 =	sld [smem:$0x3FFD];
	_ =	sdelay $0x3  }
0x97: {  	_ =	strace s4  }
0x98: {  	_ =	strace $0x8FFFFFFF  }
0x99: {  	s19 =	sld [smem:$0x3FDB];
	_ =	sdelay $0x1  }
0x9a: {  	s5 =	simm.s32 $_scs_section_size  }
0x9b: {  	s6 =	simm.s32 $_size__tile_overlayer_lowered;
	s7 =	simm.s32 $_tile_overlayer_lowered  }
0x9c: {  	s22 =	simm.s32 $0x1BFF;
	s21 =	sshll.u32 s7, $0x1;
	s4 =	sadd.s32 s5, s19  }
0x9d: {  	s8 =	simm.s32 $0x0;
	s20 =	sshll.u32 s6, $0x1;
	s6 =	sadd.s32 s21, s4  }
0x9e: {  	[timem:s8], [sflag:s22] =	dma.local [hbm:s6], s20  }
0x9f: {  	_ =	swait.ge [sflag:s22], s20  }
0xa0: {  	s5 =	ssub.s32 $0x0, s20;
	[sflag:s22] =	ssyncset.done $0x0  }
0xa1: {  	[sflag:s22] =	ssyncadd.s32 s5;
	_ =	sdelay $0x1  }
0xa2: {  	s23 =	simm.s32 $0x1B8B  }
0xa3: {  	_ =	swait.ge [sflag:s23], $0x1  }
0xa4: {  	[sflag:s23] =	ssyncset.done $0x0  }
0xa5: {  	s25 =	simm.s32 $0x1B8E;
	s24 =	sld [smem:$0x3FFE];
	[sflag:s23] =	ssyncadd.s32 $0xFFFFFFFF  }
0xa6: {  	s26 =	simm.s32 $execute0_lowered;
	[smem:$0x3FD2] =	sst s25  }
0xa7: {  	s6 =	sshll.u32 s26, $0x1;
	_ =	strace $0x80000046;
	[dreg:$0x1] =	wrdreg $0xFFFFFFFF  }
0xa8: {  	s28 =	simm.s32 $_size_execute0_lowered;
	s4 =	sadd.s32 s4, s6;
	[dreg:$0x0] =	wrdreg $0x0  }
0xa9: {  	s6 =	sshll.u32 s28, $0x1;
	[dreg:$0x2] =	wrdreg s4  }
0xaa: {  	[dreg:$0x3] =	wrdreg s6  }
0xab: {  	[dreg:$0x4] =	wrdreg $0xC0  }
0xac: {  	_ =	task [dreg:s8], $0x5FFFF  }
0xad: {  	[dreg:$0x1] =	wrdreg $0xFFFFFFFF  }
0xae: {  	[dreg:$0x0] =	wrdreg $0x60  }
0xaf: {  	[dreg:$0x2] =	wrdreg s2  }
0xb0: {  	[dreg:$0x3] =	wrdreg s18  }
0xb1: {  	[dreg:$0x4] =	wrdreg s24  }
0xb2: {  	[dreg:$0x5] =	wrdreg $0x0  }
0xb3: {  	[dreg:$0x6] =	wrdreg $0x9  }
0xb4: {  	_ =	task.clear_ibuf [dreg:s8], $0x7FFFF;
	_ =	strace $0x90000046  }
0xb5: {  	s29 =	simm.s32 $0x9;
	_ =	strace $0x80000048  }
0xb6: {  	_ =	swait.ge [sflag:s29], $0x1  }
0xb7: {  	[sflag:s29] =	ssyncadd.s32 $0xFFFFFFFF  }
0xb8: {  	_ =	strace $0x90000048  }
0xb9: {  	_ =	sfence  }
0xba: {  	s30 =	sld [smem:$0x0];
	_ =	sdelay $0x2  }
0xbb: {  	s31 =	sshll.u32 s1, $0xD;
	s1 =	sshrl.u32 s1, $0x2  }
0xbc: {  	s3 =	sand.u32 $0x4000, s31;
	s1 =	sadd.s32 s1, s30  }
0xbd: {  	s0 =	sor.u32 s3, s0;
	s1 =	sshll.u32 s1, $0x11  }
0xbe: {  	s0 =	sor.u32 s1, s0  }
0xbf: {  	s0 =	sadd.s32 $0x8F2B, s0  }
0xc0: {  	[sflag:s0] =	ssyncadd.remote.s32 $0x1  }
0xc1: {  	_ =	sfence.sel $0xFFFF  }
0xc2: {  	[dreg:$0x0] =	wrdreg $0xFFFFFFFF;
	(pc) =	sbr.abs _section_cstart, $3  }
0xc3: {  	[dreg:$0x1] =	wrdreg $0xFFFFFFFF  }
0xc4: {  	_ =	task.clear_ibuf [dreg:s8], $0x2FFFF;
	_ =	strace $0x9FFFFFFF  }
0xc5: {  	(tm) =	ssettm $0x7FFFFFFF  }
tec
execute0_lowered:
.L_overlay_start_1:
0x0: {  	(tag) =	ssettag $0x1  }
0x1: {  	s1 =	rddreg [dreg:$0x0]  }
0x2: {  	s9 =	rddreg [dreg:$0x1]  }
0x3: {  	s12 =	rddreg [dreg:$0x2]  }
0x4: {  	s3 =	rddreg [dreg:$0x3];
	s0 =	stileid.u32  }
0x5: {  	s6 =	srdreg.scid;
	s2 =	rddreg [dreg:$0x4]  }
0x6: {  	s4 =	simm.s32 $0x0;
	s18 =	simm.s32 $0x15000;
	s19 =	simm.s32 $0x7D  }
0x7: {  	s20 =	simm.s32 $0x16400;
	s21 =	simm.s32 $0x13C80;
	s22 =	simm.s32 $0x1A400  }
0x8: {  	s23 =	simm.s32 $0x1;
	s24 =	simm.s32 $0x2;
	s25 =	simm.s32 $0x16300  }
0x9: {  	s26 =	simm.s32 $0x16380;
	s28 =	simm.s32 $0x0;
	s5 =	smul.u32 $0x13C00, s0  }
0xa: {  	s6 =	sand.u32 $0x1, s6;
	[smem:$0x7FF] =	sst s4;
	s11 =	smul.u32 $0x4F000, s0  }
0xb: {  	s10 =	sadd.s32 $0x2200, s12;
	s30 =	sshll.u32 s0, $0x6;
	s8 =	smul.u32 $0x13C000, s6  }
0xc: {  	_ =	strace $0x80000047;
	s29 =	sshll.u32 s6, $0x4;
	s6 =	ssub.s32 $0x2, s6  }
0xd: {  	s7 =	sshrl.u32 s5, $0x3;
	s13 =	sshrl.u32 s6, $0x1;
	s11 =	sshrl.u32 s11, $0x2  }
0xe: {  	s7 =	sadd.s32 s7, s12;
	s5 =	sadd.s32 s5, s8;
	s8 =	sor.u32 s0, s29  }
0xf: {  	s16 =	ssub.s32 s6, s13;
	s17 =	sadd.s32 s11, s3;
	s14 =	smul.u32 $0x2800, s8  }
0x10: {  	s6 =	sor.u32 $0x1C03, s30;
	s5 =	sshrl.u32 s5, $0x3;
	s8 =	smul.u32 $0x500, s8  }
0x11: {  	s15 =	sadd.s32 s5, s12;
	s5 =	sadd.s32 $0xC200, s7;
	s12 =	sadd.s32 $0x33A00, s12  }
0x12: {  	s31 =	sshrl.u32 s14, $0x3;
	s7 =	sadd.s32 s9, s8;
	s8 =	sadd.s32 s10, s8  }
0x13: {  	s13 =	sadd.s32 $0xAB200, s15;
	s14 =	smax.u32 s16, $0x1;
	s11 =	sadd.s32 $0x280, s31  }
0x14: {  	s16 =	simm.s32 $0x3;
	s9 =	sadd.s32 s9, s11;
	s10 =	sadd.s32 s10, s11  }
0x15: {  	s11 =	sadd.s32 $0x5C200, s15;
	s15 =	sshrl.u32 s17, $0x3;
	s17 =	simm.s32 $0x13C00  }
.LBB2_1:
0x16: {  	[spmem:s15], [sflag:s6] =	dma.local [hbm:s5], $0x2780  }
0x17: {  	_ =	swait.ge [sflag:s16], $0x2780  }
0x18: {  	[sflag:s16] =	ssyncset.done $0x0  }
0x19: {  	[sflag:s16] =	ssyncadd.s32 $0xFFFFD880  }
0x1a: {  	[bflag:$0x0] =	sbarrier.arrive $0xFFFF  }
0x1b: {  	[tilespmem:s17], [sflag:$0x3] =	stream.linear.gather [hbm4b:s7+s4], $0x1400, $0x38;
	[tilespmem:$0x1E400] =	vst v63  }
0x1c: {  	_ =	swait.ge [sflag:s16], $0x1400  }
0x1d: {  	[sflag:s16] =	ssyncset.done $0x0  }
0x1e: {  	[sflag:s16] =	ssyncadd.s32 $0xFFFFEC00  }
0x1f: {  	[tilespmem:s18], [sflag:$0x3] =	stream.linear.gather [hbm4b:s8+s4], $0x1400, $0x38;
	[tilespmem:$0x1E400] =	vst v63  }
0x20: {  	_ =	swait.ge [sflag:s16], $0x1400  }
0x21: {  	[sflag:s16] =	ssyncset.done $0x0  }
0x22: {  	[sflag:s16] =	ssyncadd.s32 $0xFFFFEC00  }
0x23: {  	[tilespmem:s20], [sflag:$0x1] =	stream.indirect.gather [hbm4b:s1+s19], $0x80, s17, s19, $0xb8;
	[tilespmem:$0x1E400] =	vst v63  }
0x24: {  	_ = 	snop  }
0x25: {  	[tilespmem:s22], [sflag:$0x2] =	stream.indirect.gather [hbm4b:s1+s19], $0x80, s21, s19, $0xb8;
	[tilespmem:$0x1E400] =	vst v63  }
0x26: {  	_ =	swait.ge [sflag:s23], $0x3E80  }
0x27: {  	[sflag:s23] =	ssyncset.done $0x0  }
0x28: {  	s29 =	simm.s32 $0x15000;
	[sflag:s23] =	ssyncadd.s32 $0xFFFFC180  }
0x29: {  	[spmem:s3] =	stream.indirect.scatter.add.f32 [tilespmem:s20], [sflag:$0x3], $0x80, s29, s19, $0xb8;
	[tilespmem:$0x1E400] =	vst v63  }
0x2a: {  	_ =	swait.ge [sflag:s16], $0x3E80  }
0x2b: {  	[sflag:s16] =	ssyncset.done $0x0  }
0x2c: {  	s29 =	simm.s32 $0x13D00;
	[sflag:s16] =	ssyncadd.s32 $0xFFFFC180  }
0x2d: {  	[tilespmem:s20], [sflag:$0x1] =	stream.indirect.gather [hbm4b:s1+s19], $0x80, s29, s19, $0xb8;
	[tilespmem:$0x1E400] =	vst v63  }
0x2e: {  	_ =	swait.ge [sflag:s24], $0x3E80  }
0x2f: {  	[sflag:s24] =	ssyncset.done $0x0  }
0x30: {  	s29 =	simm.s32 $0x15080;
	[sflag:s24] =	ssyncadd.s32 $0xFFFFC180  }
0x31: {  	[spmem:s3] =	stream.indirect.scatter.add.f32 [tilespmem:s22], [sflag:$0x3], $0x80, s29, s19, $0xb8;
	[tilespmem:$0x1E400] =	vst v63  }
0x32: {  	_ =	swait.ge [sflag:s16], $0x3E80  }
0x33: {  	[sflag:s16] =	ssyncset.done $0x0  }
0x34: {  	s30 =	simm.s32 $0x13D80;
	s29 =	simm.s32 $0x400;
	[sflag:s16] =	ssyncadd.s32 $0xFFFFC180  }
.LBB2_2:
0x35: {  	[tilespmem:s22], [sflag:$0x2] =	stream.indirect.gather [hbm4b:s1+s19], $0x80, s30, s19, $0xb8;
	[tilespmem:$0x1E400] =	vst v63  }
0x36: {  	s30 =	smov.u32 s29  }
0x37: {  	p0 =	sne.s32 s29, $0x4800;
	s29 =	sadd.s32 $0x400, s29;
	_ =	swait.ge [sflag:s23], $0x3E80  }
0x38: {  	s30 =	sshra.s32 s30, $0x2;
	[sflag:s23] =	ssyncset.done $0x0  }
0x39: {  	s31 =	sadd.s32 $0x15000, s30;
	[sflag:s23] =	ssyncadd.s32 $0xFFFFC180  }
0x3a: {  	[spmem:s3] =	stream.indirect.scatter.add.f32 [tilespmem:s20], [sflag:$0x3], $0x80, s31, s19, $0xb8;
	[tilespmem:$0x1E400] =	vst v63  }
0x3b: {  	_ =	swait.ge [sflag:s16], $0x3E80  }
0x3c: {  	[sflag:s16] =	ssyncset.done $0x0  }
0x3d: {  	s31 =	sadd.s32 $0x13D00, s30;
	[sflag:s16] =	ssyncadd.s32 $0xFFFFC180  }
0x3e: {  	[tilespmem:s20], [sflag:$0x1] =	stream.indirect.gather [hbm4b:s1+s19], $0x80, s31, s19, $0xb8;
	[tilespmem:$0x1E400] =	vst v63  }
0x3f: {  	_ =	swait.ge [sflag:s24], $0x3E80  }
0x40: {  	[sflag:s24] =	ssyncset.done $0x0  }
.Ltmp0:
0x41: {  	s31 =	sadd.s32 $0x15080, s30;
	[sflag:s24] =	ssyncadd.s32 $0xFFFFC180;
	(pc) =	sbr.rel @p0 .LBB2_2-.Ltmp0, $4  }
0x42: {  	[spmem:s3] =	stream.indirect.scatter.add.f32 [tilespmem:s22], [sflag:$0x3], $0x80, s31, s19, $0xb8;
	[tilespmem:$0x1E400] =	vst v63  }
0x43: {  	_ =	swait.ge [sflag:s16], $0x3E80  }
0x44: {  	[sflag:s16] =	ssyncset.done $0x0  }
0x45: {  	s30 =	sadd.s32 $0x13D80, s30;
	[sflag:s16] =	ssyncadd.s32 $0xFFFFC180  }
0x46: {  	[tilespmem:s22], [sflag:$0x2] =	stream.indirect.gather [hbm4b:s1+s19], $0x80, s30, s19, $0xb8;
	[tilespmem:$0x1E400] =	vst v63  }
0x47: {  	_ =	swait.ge [sflag:s23], $0x3E80  }
0x48: {  	[sflag:s23] =	ssyncset.done $0x0  }
0x49: {  	[sflag:s23] =	ssyncadd.s32 $0xFFFFC180  }
0x4a: {  	[spmem:s3] =	stream.indirect.scatter.add.f32 [tilespmem:s20], [sflag:$0x3], $0x80, s25, s19, $0xb8;
	[tilespmem:$0x1E400] =	vst v63  }
0x4b: {  	_ =	swait.ge [sflag:s16], $0x3E80  }
0x4c: {  	[sflag:s16] =	ssyncset.done $0x0  }
0x4d: {  	[sflag:s16] =	ssyncadd.s32 $0xFFFFC180  }
0x4e: {  	_ =	swait.ge [sflag:s24], $0x3E80  }
0x4f: {  	[sflag:s24] =	ssyncset.done $0x0  }
0x50: {  	[sflag:s24] =	ssyncadd.s32 $0xFFFFC180  }
0x51: {  	[spmem:s3] =	stream.indirect.scatter.add.f32 [tilespmem:s22], [sflag:$0x3], $0x80, s26, s19, $0xb8;
	[tilespmem:$0x1E400] =	vst v63  }
0x52: {  	_ =	swait.ge [sflag:s16], $0x3E80  }
0x53: {  	[sflag:s16] =	ssyncset.done $0x0  }
0x54: {  	s29 =	simm.s32 $0x0;
	[sflag:s16] =	ssyncadd.s32 $0xFFFFC180  }
0x55: {  	[tilespmem:s17], [sflag:$0x3] =	stream.linear.gather [hbm4b:s9+s29], $0x1400, $0x38;
	[tilespmem:$0x1E400] =	vst v63  }
0x56: {  	_ =	swait.ge [sflag:s16], $0x1400  }
0x57: {  	[sflag:s16] =	ssyncset.done $0x0  }
0x58: {  	[sflag:s16] =	ssyncadd.s32 $0xFFFFEC00  }
0x59: {  	[tilespmem:s18], [sflag:$0x3] =	stream.linear.gather [hbm4b:s10+s29], $0x1400, $0x38;
	[tilespmem:$0x1E400] =	vst v63  }
0x5a: {  	_ =	swait.ge [sflag:s16], $0x1400  }
0x5b: {  	[sflag:s16] =	ssyncset.done $0x0  }
0x5c: {  	[sflag:s16] =	ssyncadd.s32 $0xFFFFEC00  }
0x5d: {  	[tilespmem:s20], [sflag:$0x1] =	stream.indirect.gather [hbm4b:s1+s19], $0x80, s17, s19, $0xb8;
	[tilespmem:$0x1E400] =	vst v63  }
0x5e: {  	_ = 	snop  }
0x5f: {  	[tilespmem:s22], [sflag:$0x2] =	stream.indirect.gather [hbm4b:s1+s19], $0x80, s21, s19, $0xb8;
	[tilespmem:$0x1E400] =	vst v63  }
0x60: {  	_ =	swait.ge [sflag:s23], $0x3E80  }
0x61: {  	[sflag:s23] =	ssyncset.done $0x0  }
0x62: {  	s29 =	simm.s32 $0x15000;
	[sflag:s23] =	ssyncadd.s32 $0xFFFFC180  }
0x63: {  	[spmem:s3] =	stream.indirect.scatter.add.f32 [tilespmem:s20], [sflag:$0x3], $0x80, s29, s19, $0xb8;
	[tilespmem:$0x1E400] =	vst v63  }
0x64: {  	_ =	swait.ge [sflag:s16], $0x3E80  }
0x65: {  	[sflag:s16] =	ssyncset.done $0x0  }
0x66: {  	s29 =	simm.s32 $0x13D00;
	[sflag:s16] =	ssyncadd.s32 $0xFFFFC180  }
0x67: {  	[tilespmem:s20], [sflag:$0x1] =	stream.indirect.gather [hbm4b:s1+s19], $0x80, s29, s19, $0xb8;
	[tilespmem:$0x1E400] =	vst v63  }
0x68: {  	_ =	swait.ge [sflag:s24], $0x3E80  }
0x69: {  	[sflag:s24] =	ssyncset.done $0x0  }
0x6a: {  	s29 =	simm.s32 $0x15080;
	[sflag:s24] =	ssyncadd.s32 $0xFFFFC180  }
0x6b: {  	[spmem:s3] =	stream.indirect.scatter.add.f32 [tilespmem:s22], [sflag:$0x3], $0x80, s29, s19, $0xb8;
	[tilespmem:$0x1E400] =	vst v63  }
0x6c: {  	_ =	swait.ge [sflag:s16], $0x3E80  }
0x6d: {  	[sflag:s16] =	ssyncset.done $0x0  }
0x6e: {  	s30 =	simm.s32 $0x13D80;
	s29 =	simm.s32 $0x400;
	[sflag:s16] =	ssyncadd.s32 $0xFFFFC180  }
.LBB2_4:
0x6f: {  	[tilespmem:s22], [sflag:$0x2] =	stream.indirect.gather [hbm4b:s1+s19], $0x80, s30, s19, $0xb8;
	[tilespmem:$0x1E400] =	vst v63  }
0x70: {  	s30 =	smov.u32 s29  }
0x71: {  	p0 =	sne.s32 s29, $0x4800;
	s29 =	sadd.s32 $0x400, s29;
	_ =	swait.ge [sflag:s23], $0x3E80  }
0x72: {  	s30 =	sshra.s32 s30, $0x2;
	[sflag:s23] =	ssyncset.done $0x0  }
0x73: {  	s31 =	sadd.s32 $0x15000, s30;
	[sflag:s23] =	ssyncadd.s32 $0xFFFFC180  }
0x74: {  	[spmem:s3] =	stream.indirect.scatter.add.f32 [tilespmem:s20], [sflag:$0x3], $0x80, s31, s19, $0xb8;
	[tilespmem:$0x1E400] =	vst v63  }
0x75: {  	_ =	swait.ge [sflag:s16], $0x3E80  }
0x76: {  	[sflag:s16] =	ssyncset.done $0x0  }
0x77: {  	s31 =	sadd.s32 $0x13D00, s30;
	[sflag:s16] =	ssyncadd.s32 $0xFFFFC180  }
0x78: {  	[tilespmem:s20], [sflag:$0x1] =	stream.indirect.gather [hbm4b:s1+s19], $0x80, s31, s19, $0xb8;
	[tilespmem:$0x1E400] =	vst v63  }
0x79: {  	_ =	swait.ge [sflag:s24], $0x3E80  }
0x7a: {  	[sflag:s24] =	ssyncset.done $0x0  }
.Ltmp1:
0x7b: {  	s31 =	sadd.s32 $0x15080, s30;
	[sflag:s24] =	ssyncadd.s32 $0xFFFFC180;
	(pc) =	sbr.rel @p0 .LBB2_4-.Ltmp1, $4  }
0x7c: {  	[spmem:s3] =	stream.indirect.scatter.add.f32 [tilespmem:s22], [sflag:$0x3], $0x80, s31, s19, $0xb8;
	[tilespmem:$0x1E400] =	vst v63  }
0x7d: {  	_ =	swait.ge [sflag:s16], $0x3E80  }
0x7e: {  	[sflag:s16] =	ssyncset.done $0x0  }
0x7f: {  	s30 =	sadd.s32 $0x13D80, s30;
	[sflag:s16] =	ssyncadd.s32 $0xFFFFC180  }
0x80: {  	[tilespmem:s22], [sflag:$0x2] =	stream.indirect.gather [hbm4b:s1+s19], $0x80, s30, s19, $0xb8;
	[tilespmem:$0x1E400] =	vst v63  }
0x81: {  	_ =	swait.ge [sflag:s23], $0x3E80  }
0x82: {  	[sflag:s23] =	ssyncset.done $0x0  }
0x83: {  	[sflag:s23] =	ssyncadd.s32 $0xFFFFC180  }
0x84: {  	[spmem:s3] =	stream.indirect.scatter.add.f32 [tilespmem:s20], [sflag:$0x3], $0x80, s25, s19, $0xb8;
	[tilespmem:$0x1E400] =	vst v63  }
0x85: {  	_ =	swait.ge [sflag:s16], $0x3E80  }
0x86: {  	[sflag:s16] =	ssyncset.done $0x0  }
0x87: {  	[sflag:s16] =	ssyncadd.s32 $0xFFFFC180  }
0x88: {  	_ =	swait.ge [sflag:s24], $0x3E80  }
0x89: {  	[sflag:s24] =	ssyncset.done $0x0  }
0x8a: {  	[sflag:s24] =	ssyncadd.s32 $0xFFFFC180  }
0x8b: {  	[spmem:s3] =	stream.indirect.scatter.add.f32 [tilespmem:s22], [sflag:$0x3], $0x80, s26, s19, $0xb8;
	[tilespmem:$0x1E400] =	vst v63  }
0x8c: {  	_ =	swait.ge [sflag:s16], $0x3E80  }
0x8d: {  	[sflag:s16] =	ssyncset.done $0x0  }
0x8e: {  	[sflag:s16] =	ssyncadd.s32 $0xFFFFC180  }
0x8f: {  	[bflag:$0x0] =	sbarrier.arrive $0xFFFF  }
0x90: {  	[hbm:s11], [sflag:s6] =	dma.local [spmem:s15], $0x2780  }
0x91: {  	_ =	swait.ge [sflag:s16], $0x2780  }
0x92: {  	[sflag:s16] =	ssyncset.done $0x0  }
0x93: {  	[sflag:s16] =	ssyncadd.s32 $0xFFFFD880  }
0x94: {  	[spmem:s15], [sflag:s6] =	dma.local [hbm:s5], $0x2780  }
0x95: {  	_ =	swait.ge [sflag:s16], $0x2780  }
0x96: {  	[sflag:s16] =	ssyncset.done $0x0  }
0x97: {  	s29 =	simm.s32 $0x0;
	[sflag:s16] =	ssyncadd.s32 $0xFFFFD880  }
0x98: {  	[tilespmem:s20], [sflag:$0x3] =	stream.linear.gather [hbm4b:s12+s29], $0x3E80, $0x38;
	[tilespmem:$0x1E400] =	vst v63  }
0x99: {  	_ =	swait.ge [sflag:s16], $0x3E80  }
0x9a: {  	[sflag:s16] =	ssyncset.done $0x0  }
0x9b: {  	[sflag:s16] =	ssyncadd.s32 $0xFFFFC180  }
0x9c: {  	[bflag:$0x0] =	sbarrier.arrive $0xFFFF  }
0x9d: {  	[tilespmem:s18], [sflag:$0x3] =	stream.linear.gather [hbm4b:s8+s29], $0x1400, $0x38;
	[tilespmem:$0x1E400] =	vst v63  }
0x9e: {  	_ =	swait.ge [sflag:s16], $0x1400  }
0x9f: {  	[sflag:s16] =	ssyncset.done $0x0  }
0xa0: {  	s29 =	simm.s32 $0x15000;
	[sflag:s16] =	ssyncadd.s32 $0xFFFFEC00  }
0xa1: {  	[spmem:s3] =	stream.indirect.scatter.add.f32 [tilespmem:s20], [sflag:$0x3], $0x80, s29, s19, $0xb8;
	[tilespmem:$0x1E400] =	vst v63  }
0xa2: {  	s29 =	simm.s32 $0x200;
	_ =	swait.ge [sflag:s16], $0x3E80  }
.LBB2_6:
0xa3: {  	s30 =	sshra.s32 s29, $0x2;
	[sflag:s16] =	ssyncset.done $0x0;
	p0 =	sne.s32 s29, $0x4E00  }
.Ltmp2:
0xa4: {  	s30 =	sadd.s32 $0x15000, s30;
	[sflag:s16] =	ssyncadd.s32 $0xFFFFC180;
	(pc) =	sbr.rel @p0 .LBB2_6-.Ltmp2, $3  }
0xa5: {  	[spmem:s3] =	stream.indirect.scatter.add.f32 [tilespmem:s20], [sflag:$0x3], $0x80, s30, s19, $0xb8;
	[tilespmem:$0x1E400] =	vst v63  }
0xa6: {  	s29 =	sadd.s32 $0x200, s29;
	_ =	sdelay $0x1  }
0xa7: {  	_ =	swait.ge [sflag:s16], $0x3E80  }
0xa8: {  	[sflag:s16] =	ssyncset.done $0x0  }
0xa9: {  	s29 =	simm.s32 $0x0;
	[sflag:s16] =	ssyncadd.s32 $0xFFFFC180  }
0xaa: {  	[tilespmem:s18], [sflag:$0x3] =	stream.linear.gather [hbm4b:s10+s29], $0x1400, $0x38;
	[tilespmem:$0x1E400] =	vst v63  }
0xab: {  	_ =	swait.ge [sflag:s16], $0x1400  }
0xac: {  	[sflag:s16] =	ssyncset.done $0x0  }
0xad: {  	s29 =	simm.s32 $0x15000;
	[sflag:s16] =	ssyncadd.s32 $0xFFFFEC00  }
0xae: {  	[spmem:s3] =	stream.indirect.scatter.add.f32 [tilespmem:s20], [sflag:$0x3], $0x80, s29, s19, $0xb8;
	[tilespmem:$0x1E400] =	vst v63  }
0xaf: {  	s29 =	simm.s32 $0x200;
	_ =	swait.ge [sflag:s16], $0x3E80  }
.LBB2_8:
0xb0: {  	s30 =	sshra.s32 s29, $0x2;
	[sflag:s16] =	ssyncset.done $0x0;
	p0 =	sne.s32 s29, $0x4E00  }
.Ltmp3:
0xb1: {  	s30 =	sadd.s32 $0x15000, s30;
	[sflag:s16] =	ssyncadd.s32 $0xFFFFC180;
	(pc) =	sbr.rel @p0 .LBB2_8-.Ltmp3, $3  }
0xb2: {  	[spmem:s3] =	stream.indirect.scatter.add.f32 [tilespmem:s20], [sflag:$0x3], $0x80, s30, s19, $0xb8;
	[tilespmem:$0x1E400] =	vst v63  }
0xb3: {  	s29 =	sadd.s32 $0x200, s29;
	_ =	sdelay $0x1  }
0xb4: {  	_ =	swait.ge [sflag:s16], $0x3E80  }
0xb5: {  	[sflag:s16] =	ssyncset.done $0x0;
	s28 =	sadd.s32 $0x1, s28  }
0xb6: {  	[sflag:s16] =	ssyncadd.s32 $0xFFFFC180;
	p0 =	sne.s32 s28, s14  }
.Ltmp4:
0xb7: {  	[bflag:$0x0] =	sbarrier.arrive $0xFFFF;
	(pc) =	sbr.rel @p0 .LBB2_1-.Ltmp4, $4  }
0xb8: {  	[hbm:s13], [sflag:s6] =	dma.local [spmem:s15], $0x2780  }
0xb9: {  	_ =	swait.ge [sflag:s16], $0x2780  }
0xba: {  	[sflag:s16] =	ssyncset.done $0x0  }
0xbb: {  	[sflag:s16] =	ssyncadd.s32 $0xFFFFD880  }
0xbc: {  	_ =	sfence.sel $0x180000  }
0xbd: {  	[bflag:$0x0] =	sbarrier.arrive $0xFFFF  }
0xbe: {  	p0 =	sne.s32 s0, $0x0;
	_ =	strace $0x90000047  }
0xbf: {  	s0 =	sadd.s32 @!p0 $0x100000, s2;
	[bflag:$0x2] =	sbarrier.arrive $0xFFFF  }
0xc0: {  	[sflag:s0] =	ssyncadd.tile.s32 @!p0 $0x1;
	_ =	shalt  }
.Lfunc_end2:
_tile_overlayer_lowered:
.L_overlay_start_2:
0xc1: {  	(tag) =	ssettag $0x2  }
0xc2: {  	s0 =	rddreg [dreg:$0x0];
	s2 =	stileid.u32  }
0xc3: {  	s1 =	rddreg [dreg:$0x1];
	p0 =	sne.s32 s2, $0x0  }
0xc4: {  	s3 =	rddreg [dreg:$0x2];
	[bflag:$0x3] =	sbarrier.arrive $0xFFFF;
	s2 =	simm.s32 @!p0 $0x1C03  }
0xc5: {  	[timem:s3], [sflag:s2] =	dma.local @!p0 [hbm:s0], s1  }
0xc6: {  	s0 =	simm.s32 @!p0 $0x3  }
0xc7: {  	_ =	swait.ge @!p0 [sflag:s0], s1  }
0xc8: {  	s1 =	ssub.s32 @!p0 $0x0, s1;
	[sflag:s0] =	ssyncset.done @!p0 $0x0  }
0xc9: {  	[sflag:s0] =	ssyncadd.s32 @!p0 s1  }
0xca: {  	[bflag:$0x3] =	sbarrier.arrive $0xFFFF  }
0xcb: {  	_ =	shalt  }

// kernel: kernel.9.cloned.1.call-start
scs
__scs_entry_jumppad:
0x0: {  	(pc) =	sbr.rel $0x88, $3  }
0x1: {  	(tag) =	ssettag $0x0;
	lr =	simm.s32 $0x1  }
0x2: {  	[smem:$0x3F99] =	sst lr;
	_ =	strace $0xD0000000  }
0x3: {  	_ = 	snop  }
0x4: {  	_ = 	snop  }
0x5: {  	_ = 	snop  }
0x6: {  	_ = 	snop  }
0x7: {  	_ = 	snop  }
__scs_overlays_trampoline_lowered:
0x8: {  	[smem:$0x3FA8] =	sst s0  }
0x9: {  	[smem:$0x3FA9] =	sst s1  }
0xa: {  	[smem:$0x3FAA] =	sst s2  }
0xb: {  	[smem:$0x3FAB] =	sst s3  }
0xc: {  	[smem:$0x3FAC] =	sst s4  }
0xd: {  	[smem:$0x3FAD] =	sst s5  }
0xe: {  	[smem:$0x3FAE] =	sst s6  }
0xf: {  	[smem:$0x3FAF] =	sst s7  }
0x10: {  	[smem:$0x3FB0] =	sst s8  }
0x11: {  	[smem:$0x3FB1] =	sst s9;
	s0 =	simm.s32 @!p0 $0x0  }
0x12: {  	s1 =	sld [smem:$0x3F97];
	s0 =	simm.s32 @p0 $0x1  }
0x13: {  	[smem:$0x3FB2] =	sst s0;
	s0 =	simm.s32 @!p1 $0x0  }
0x14: {  	s2 =	sld [smem:$0x3F96];
	s0 =	simm.s32 @p1 $0x1  }
0x15: {  	[smem:$0x3FB3] =	sst s0;
	s0 =	simm.s32 @!p2 $0x0  }
0x16: {  	s3 =	sld [smem:$0x3FDB];
	s0 =	simm.s32 @p2 $0x1  }
0x17: {  	s4 =	simm.s32 $0x1BF5;
	[smem:$0x3FB5] =	sst s0  }
0x18: {  	s0 =	sld [smem:$0x3F98];
	_ =	swait.ge [sflag:s4], $0x0  }
0x19: {  	s7 =	sld [smem:$0x3F99]  }
0x1a: {  	s8 =	sadd.s32 $0xFFFFE003, lr  }
0x1b: {  	s9 =	sadd.s32 $0xFFFFFEF7, lr;
	s5 =	simm.s32 $0xFFFFFFFF;
	p2 =	slt.u32 s8, $0xFFFFF086  }
0x1c: {  	p1 =	slt.u32 s9, $0xF7A;
	s5 =	simm.s32 @!p2 $0x0  }
0x1d: {  	s5 =	simm.s32 @p1 $0x1;
	p0 =	seq.s32 s7, s2  }
0x1e: {  	s7 =	smul.u32 @!p0 $0xF7A, s2;
	p2 =	seq.s32 @!p0 s5, $0x0  }
0x1f: {  	s9 =	smul.u32 $0xF7A, s1;
	s8 =	simm.s32 @!p0 $0x1BF5;
	p2 =	por !p2, p0  }
0x20: {  	[sflag:s8] =	ssyncset.s32 @!p0 $0xFFFFF086;
	s6 =	sadd.s32 @!p0 s3, s7;
	s7 =	simm.s32 @!p0 $0x108  }
0x21: {  	s3 =	sadd.s32 s3, s9;
	s6 =	sadd.s32 @!p0 $0x88, s6;
	s7 =	simm.s32 @p2 $0x1082  }
0x22: {  	[simem:s7], [sflag:s8] =	dma.local @!p0 [hbm:s6], $0xF7A  }
0x23: {  	s9 =	sor.u32 $0xD0000000, s2;
	s6 =	simm.s32 $0x108;
	_ =	swait.ge @!p0 [sflag:s8], $0x0  }
0x24: {  	s3 =	sadd.s32 $0x88, s3;
	s6 =	simm.s32 @!p1 $0x1082;
	[sflag:s4] =	ssyncset.s32 $0xFFFFF086  }
0x25: {  	[simem:s6], [sflag:s4] =	dma.local [hbm:s3], $0xF7A  }
0x26: {  	[smem:$0x3F99] =	sst s1;
	(tag) =	ssettag s2;
	_ =	strace s9  }
0x27: {  	s1 =	sld [smem:$0x3FA9]  }
0x28: {  	s2 =	sld [smem:$0x3FAA]  }
0x29: {  	s4 =	sld [smem:$0x3FAC]  }
0x2a: {  	p0 =	seq.s32 s5, $0x0;
	s5 =	sld [smem:$0x3FAD]  }
0x2b: {  	s6 =	sld [smem:$0x3FAE]  }
0x2c: {  	s7 =	sld [smem:$0x3FAF]  }
0x2d: {  	s3 =	simm.s32 $0x108;
	s8 =	sld [smem:$0x3FB0]  }
0x2e: {  	s3 =	simm.s32 @!p0 $0x1082;
	s9 =	sld [smem:$0x3FB1]  }
0x2f: {  	lr =	sadd.s32 s0, s3;
	s0 =	sld [smem:$0x3FA8]  }
0x30: {  	s3 =	sld [smem:$0x3FAB]  }
0x31: {  	[smem:$0x3FB4] =	sst s10  }
0x32: {  	s10 =	sld [smem:$0x3FB2];
	_ =	sdelay $0x3  }
0x33: {  	p0 =	seq.s32 s10, $0x1;
	s10 =	sld [smem:$0x3FB4];
	_ =	sdelay $0x3  }
0x34: {  	[smem:$0x3FB4] =	sst s10  }
0x35: {  	s10 =	sld [smem:$0x3FB3];
	_ =	sdelay $0x3  }
0x36: {  	p1 =	seq.s32 s10, $0x1;
	s10 =	sld [smem:$0x3FB4];
	_ =	sdelay $0x3  }
0x37: {  	[smem:$0x3FB4] =	sst s10  }
0x38: {  	s10 =	sld [smem:$0x3FB5]  }
0x39: {  	_ = 	snop;
	(pc) =	sbr.ind lr, $3  }
0x3a: {  	_ = 	snop  }
0x3b: {  	_ = 	snop  }
0x3c: {  	p2 =	seq.s32 s10, $0x1;
	s10 =	sld [smem:$0x3FB4]  }
0x3d: {  	_ =	shalt  }
0x3e: {  	_ =	shalt  }
0x3f: {  	_ =	shalt  }
0x40: {  	_ =	shalt  }
0x41: {  	_ =	shalt  }
0x42: {  	_ =	shalt  }
0x43: {  	_ =	shalt  }
0x44: {  	_ =	shalt  }
0x45: {  	_ =	shalt  }
0x46: {  	_ =	shalt  }
0x47: {  	_ =	shalt  }
0x48: {  	_ =	shalt  }
0x49: {  	_ =	shalt  }
0x4a: {  	_ =	shalt  }
0x4b: {  	_ =	shalt  }
0x4c: {  	_ =	shalt  }
0x4d: {  	_ =	shalt  }
0x4e: {  	_ =	shalt  }
0x4f: {  	_ =	shalt  }
0x50: {  	_ =	shalt  }
0x51: {  	_ =	shalt  }
0x52: {  	_ =	shalt  }
0x53: {  	_ =	shalt  }
0x54: {  	_ =	shalt  }
0x55: {  	_ =	shalt  }
0x56: {  	_ =	shalt  }
0x57: {  	_ =	shalt  }
0x58: {  	_ =	shalt  }
0x59: {  	_ =	shalt  }
0x5a: {  	_ =	shalt  }
0x5b: {  	_ =	shalt  }
0x5c: {  	_ =	shalt  }
0x5d: {  	_ =	shalt  }
0x5e: {  	_ =	shalt  }
0x5f: {  	_ =	shalt  }
0x60: {  	_ =	shalt  }
0x61: {  	_ =	shalt  }
0x62: {  	_ =	shalt  }
0x63: {  	_ =	shalt  }
0x64: {  	_ =	shalt  }
0x65: {  	_ =	shalt  }
0x66: {  	_ =	shalt  }
0x67: {  	_ =	shalt  }
0x68: {  	_ =	shalt  }
0x69: {  	_ =	shalt  }
0x6a: {  	_ =	shalt  }
0x6b: {  	_ =	shalt  }
0x6c: {  	_ =	shalt  }
0x6d: {  	_ =	shalt  }
0x6e: {  	_ =	shalt  }
0x6f: {  	_ =	shalt  }
0x70: {  	_ =	shalt  }
0x71: {  	_ =	shalt  }
0x72: {  	_ =	shalt  }
0x73: {  	_ =	shalt  }
0x74: {  	_ =	shalt  }
0x75: {  	_ =	shalt  }
0x76: {  	_ =	shalt  }
0x77: {  	_ =	shalt  }
0x78: {  	_ =	shalt  }
0x79: {  	_ =	shalt  }
0x7a: {  	_ =	shalt  }
0x7b: {  	_ =	shalt  }
0x7c: {  	_ =	shalt  }
0x7d: {  	_ =	shalt  }
0x7e: {  	_ =	shalt  }
0x7f: {  	_ =	shalt  }
0x80: {  	_ =	shalt  }
0x81: {  	_ =	shalt  }
0x82: {  	_ =	shalt  }
0x83: {  	_ =	shalt  }
0x84: {  	_ =	shalt  }
0x85: {  	_ =	shalt  }
0x86: {  	_ =	shalt  }
0x87: {  	_ =	shalt  }
.Lfunc_end0:
.L_simem_size_0:
called_computation.1_lowered:
.L_overlay_start_0:
0x88: {  	s2 =	sld [smem:$0x3FD9]  }
0x89: {  	s3 =	sld [smem:$0x3FFE];
	_ =	sdelay $0x1  }
0x8a: {  	s1 =	srdreg.scid  }
0x8b: {  	s0 =	sand.u32 $0x1, s1  }
0x8c: {  	s17 =	sshll.u32 s0, $0xA;
	s2 =	sadd.s32 s3, s2  }
0x8d: {  	s2 =	sadd.s32 s2, s17  }
0x8e: {  	[smem:$0x3FC0] =	sst s2  }
0x8f: {  	_ = 	snop  }
0x90: {  	s2 =	sld [smem:$0x3FD0];
	(tm) =	ssettm $0x1  }
0x91: {  	s18 =	sld [smem:$0x3FFB];
	_ =	sdelay $0x3  }
0x92: {  	_ =	strace s18  }
0x93: {  	s3 =	sld [smem:$0x3FFC];
	_ =	sdelay $0x3  }
0x94: {  	_ =	strace s3  }
0x95: {  	s3 =	sld [smem:$0x3FFD];
	_ =	sdelay $0x3  }
0x96: {  	_ =	strace s3  }
0x97: {  	_ =	strace $0x8FFFFFFF  }
0x98: {  	s19 =	sld [smem:$0x3FDB];
	_ =	sdelay $0x1  }
0x99: {  	s4 =	simm.s32 $_scs_section_size  }
0x9a: {  	s5 =	simm.s32 $_size__tile_overlayer_lowered;
	s6 =	simm.s32 $_tile_overlayer_lowered  }
0x9b: {  	s22 =	simm.s32 $0x1BFF;
	s21 =	sshll.u32 s6, $0x1;
	s3 =	sadd.s32 s4, s19  }
0x9c: {  	s7 =	simm.s32 $0x0;
	s20 =	sshll.u32 s5, $0x1;
	s5 =	sadd.s32 s21, s3  }
0x9d: {  	[timem:s7], [sflag:s22] =	dma.local [hbm:s5], s20  }
0x9e: {  	_ =	swait.ge [sflag:s22], s20  }
0x9f: {  	s4 =	ssub.s32 $0x0, s20;
	[sflag:s22] =	ssyncset.done $0x0  }
0xa0: {  	[sflag:s22] =	ssyncadd.s32 s4;
	_ =	sdelay $0x1  }
0xa1: {  	s23 =	simm.s32 $0x1B8B  }
0xa2: {  	_ =	swait.ge [sflag:s23], $0x1  }
0xa3: {  	[sflag:s23] =	ssyncset.done $0x0  }
0xa4: {  	s25 =	simm.s32 $0x1B8E;
	s24 =	sld [smem:$0x3FFE];
	[sflag:s23] =	ssyncadd.s32 $0xFFFFFFFF  }
0xa5: {  	s26 =	simm.s32 $execute0_lowered;
	[smem:$0x3FD2] =	sst s25  }
0xa6: {  	s5 =	sshll.u32 s26, $0x1;
	_ =	strace $0x80000049;
	[dreg:$0x1] =	wrdreg $0xFFFFFFFF  }
0xa7: {  	s28 =	simm.s32 $_size_execute0_lowered;
	s3 =	sadd.s32 s3, s5;
	[dreg:$0x0] =	wrdreg $0x0  }
0xa8: {  	s5 =	sshll.u32 s28, $0x1;
	[dreg:$0x2] =	wrdreg s3  }
0xa9: {  	[dreg:$0x3] =	wrdreg s5  }
0xaa: {  	[dreg:$0x4] =	wrdreg $0xC0  }
0xab: {  	_ =	task [dreg:s7], $0x5FFFF  }
0xac: {  	[dreg:$0x1] =	wrdreg $0xFFFFFFFF  }
0xad: {  	[dreg:$0x0] =	wrdreg $0x60  }
0xae: {  	[dreg:$0x2] =	wrdreg s24  }
0xaf: {  	[dreg:$0x3] =	wrdreg s2  }
0xb0: {  	[dreg:$0x4] =	wrdreg $0x0  }
0xb1: {  	[dreg:$0x5] =	wrdreg $0x9  }
0xb2: {  	_ =	task.clear_ibuf [dreg:s7], $0x6FFFF;
	_ =	strace $0x90000049  }
0xb3: {  	s29 =	simm.s32 $0x9;
	_ =	strace $0x8000004B  }
0xb4: {  	_ =	swait.ge [sflag:s29], $0x1  }
0xb5: {  	[sflag:s29] =	ssyncadd.s32 $0xFFFFFFFF  }
0xb6: {  	_ =	strace $0x9000004B  }
0xb7: {  	_ =	sfence  }
0xb8: {  	s30 =	sld [smem:$0x0];
	_ =	sdelay $0x2  }
0xb9: {  	s31 =	sshll.u32 s1, $0xD;
	s1 =	sshrl.u32 s1, $0x2  }
0xba: {  	s3 =	sand.u32 $0x4000, s31;
	s1 =	sadd.s32 s1, s30  }
0xbb: {  	s0 =	sor.u32 s3, s0;
	s1 =	sshll.u32 s1, $0x11  }
0xbc: {  	s0 =	sor.u32 s1, s0  }
0xbd: {  	s0 =	sadd.s32 $0x8F2B, s0  }
0xbe: {  	[sflag:s0] =	ssyncadd.remote.s32 $0x1  }
0xbf: {  	_ =	sfence.sel $0xFFFF  }
0xc0: {  	[dreg:$0x0] =	wrdreg $0xFFFFFFFF;
	(pc) =	sbr.abs _section_cstart, $3  }
0xc1: {  	[dreg:$0x1] =	wrdreg $0xFFFFFFFF  }
0xc2: {  	_ =	task.clear_ibuf [dreg:s7], $0x2FFFF;
	_ =	strace $0x9FFFFFFF  }
0xc3: {  	(tm) =	ssettm $0x7FFFFFFF  }
tec
execute0_lowered:
.L_overlay_start_1:
0x0: {  	(tag) =	ssettag $0x1  }
0x1: {  	s5 =	rddreg [dreg:$0x0]  }
0x2: {  	s9 =	rddreg [dreg:$0x1]  }
0x3: {  	s2 =	rddreg [dreg:$0x2]  }
0x4: {  	s0 =	rddreg [dreg:$0x3];
	s1 =	stileid.u32  }
0x5: {  	s4 =	srdreg.scid;
	s3 =	simm.s32 $0x0;
	s16 =	simm.s32 $0x15000  }
0x6: {  	s17 =	simm.s32 $0x7D;
	s18 =	simm.s32 $0x16400;
	s19 =	simm.s32 $0x13C80  }
0x7: {  	s20 =	simm.s32 $0x1A400;
	s21 =	simm.s32 $0x1;
	s22 =	simm.s32 $0x2  }
0x8: {  	s6 =	smul.u32 $0x13C00, s1;
	s7 =	sand.u32 $0x1, s4;
	[smem:$0x7FF] =	sst s3  }
0x9: {  	s4 =	sadd.s32 $0xC200, s5;
	s11 =	sadd.s32 $0x2200, s5;
	s12 =	smul.u32 $0x4F000, s1  }
0xa: {  	s30 =	sshll.u32 s1, $0x6;
	s8 =	smul.u32 $0x13C000, s7;
	_ =	strace $0x8000004A  }
0xb: {  	s23 =	sshll.u32 s7, $0x4;
	s24 =	ssub.s32 $0x2, s7;
	s10 =	sshrl.u32 s6, $0x3  }
0xc: {  	s25 =	sor.u32 s1, s23;
	s7 =	sshrl.u32 s24, $0x1;
	s26 =	sshrl.u32 s12, $0x2  }
0xd: {  	s23 =	simm.s32 $0x16300;
	s10 =	sadd.s32 s10, s5;
	s6 =	sadd.s32 s6, s8  }
0xe: {  	s28 =	smul.u32 $0x2800, s25;
	s14 =	ssub.s32 s24, s7;
	s15 =	sadd.s32 s26, s2  }
0xf: {  	s29 =	smul.u32 $0x500, s25;
	s24 =	simm.s32 $0x16380;
	s25 =	simm.s32 $0x0  }
0x10: {  	s6 =	sshrl.u32 s6, $0x3;
	s12 =	smax.u32 s14, $0x1;
	s14 =	simm.s32 $0x3  }
0x11: {  	s13 =	sadd.s32 s6, s5;
	s5 =	sadd.s32 $0x34200, s10;
	s31 =	sshrl.u32 s28, $0x3  }
0x12: {  	s6 =	sor.u32 $0x1C03, s30;
	s7 =	sadd.s32 s9, s29;
	s10 =	sadd.s32 $0x280, s31  }
0x13: {  	s8 =	sadd.s32 s11, s29;
	s9 =	sadd.s32 s9, s10;
	s10 =	sadd.s32 s11, s10  }
0x14: {  	s11 =	sadd.s32 $0x5C200, s13;
	s13 =	sshrl.u32 s15, $0x3;
	s15 =	simm.s32 $0x13C00  }
.LBB2_1:
0x15: {  	[spmem:s13], [sflag:s6] =	dma.local [hbm:s5], $0x2780  }
0x16: {  	_ =	swait.ge [sflag:s14], $0x2780  }
0x17: {  	[sflag:s14] =	ssyncset.done $0x0  }
0x18: {  	[sflag:s14] =	ssyncadd.s32 $0xFFFFD880  }
0x19: {  	[bflag:$0x0] =	sbarrier.arrive $0xFFFF  }
0x1a: {  	[tilespmem:s15], [sflag:$0x3] =	stream.linear.gather [hbm4b:s7+s3], $0x1400, $0x38;
	[tilespmem:$0x1E400] =	vst v63  }
0x1b: {  	_ =	swait.ge [sflag:s14], $0x1400  }
0x1c: {  	[sflag:s14] =	ssyncset.done $0x0  }
0x1d: {  	[sflag:s14] =	ssyncadd.s32 $0xFFFFEC00  }
0x1e: {  	[tilespmem:s16], [sflag:$0x3] =	stream.linear.gather [hbm4b:s8+s3], $0x1400, $0x38;
	[tilespmem:$0x1E400] =	vst v63  }
0x1f: {  	_ =	swait.ge [sflag:s14], $0x1400  }
0x20: {  	[sflag:s14] =	ssyncset.done $0x0  }
0x21: {  	[sflag:s14] =	ssyncadd.s32 $0xFFFFEC00  }
0x22: {  	[tilespmem:s18], [sflag:$0x1] =	stream.indirect.gather [hbm4b:s4+s17], $0x80, s15, s17, $0xb8;
	[tilespmem:$0x1E400] =	vst v63  }
0x23: {  	_ = 	snop  }
0x24: {  	[tilespmem:s20], [sflag:$0x2] =	stream.indirect.gather [hbm4b:s4+s17], $0x80, s19, s17, $0xb8;
	[tilespmem:$0x1E400] =	vst v63  }
0x25: {  	_ =	swait.ge [sflag:s21], $0x3E80  }
0x26: {  	[sflag:s21] =	ssyncset.done $0x0  }
0x27: {  	s26 =	simm.s32 $0x15000;
	[sflag:s21] =	ssyncadd.s32 $0xFFFFC180  }
0x28: {  	[spmem:s2] =	stream.indirect.scatter.add.f32 [tilespmem:s18], [sflag:$0x3], $0x80, s26, s17, $0xb8;
	[tilespmem:$0x1E400] =	vst v63  }
0x29: {  	_ =	swait.ge [sflag:s14], $0x3E80  }
0x2a: {  	[sflag:s14] =	ssyncset.done $0x0  }
0x2b: {  	s30 =	simm.s32 $0x13D00;
	[sflag:s14] =	ssyncadd.s32 $0xFFFFC180  }
0x2c: {  	[tilespmem:s18], [sflag:$0x1] =	stream.indirect.gather [hbm4b:s4+s17], $0x80, s30, s17, $0xb8;
	[tilespmem:$0x1E400] =	vst v63  }
0x2d: {  	_ =	swait.ge [sflag:s22], $0x3E80  }
0x2e: {  	[sflag:s22] =	ssyncset.done $0x0  }
0x2f: {  	s31 =	simm.s32 $0x15080;
	[sflag:s22] =	ssyncadd.s32 $0xFFFFC180  }
0x30: {  	[spmem:s2] =	stream.indirect.scatter.add.f32 [tilespmem:s20], [sflag:$0x3], $0x80, s31, s17, $0xb8;
	[tilespmem:$0x1E400] =	vst v63  }
0x31: {  	_ =	swait.ge [sflag:s14], $0x3E80  }
0x32: {  	[sflag:s14] =	ssyncset.done $0x0  }
0x33: {  	s28 =	simm.s32 $0x13D80;
	s26 =	simm.s32 $0x400;
	[sflag:s14] =	ssyncadd.s32 $0xFFFFC180  }
.LBB2_2:
0x34: {  	[tilespmem:s20], [sflag:$0x2] =	stream.indirect.gather [hbm4b:s4+s17], $0x80, s28, s17, $0xb8;
	[tilespmem:$0x1E400] =	vst v63  }
0x35: {  	s28 =	smov.u32 s26  }
0x36: {  	p0 =	sne.s32 s26, $0x4800;
	s26 =	sadd.s32 $0x400, s26;
	_ =	swait.ge [sflag:s21], $0x3E80  }
0x37: {  	s28 =	sshra.s32 s28, $0x2;
	[sflag:s21] =	ssyncset.done $0x0  }
0x38: {  	s29 =	sadd.s32 $0x15000, s28;
	[sflag:s21] =	ssyncadd.s32 $0xFFFFC180  }
0x39: {  	[spmem:s2] =	stream.indirect.scatter.add.f32 [tilespmem:s18], [sflag:$0x3], $0x80, s29, s17, $0xb8;
	[tilespmem:$0x1E400] =	vst v63  }
0x3a: {  	_ =	swait.ge [sflag:s14], $0x3E80  }
0x3b: {  	[sflag:s14] =	ssyncset.done $0x0  }
0x3c: {  	s29 =	sadd.s32 $0x13D00, s28;
	[sflag:s14] =	ssyncadd.s32 $0xFFFFC180  }
0x3d: {  	[tilespmem:s18], [sflag:$0x1] =	stream.indirect.gather [hbm4b:s4+s17], $0x80, s29, s17, $0xb8;
	[tilespmem:$0x1E400] =	vst v63  }
0x3e: {  	_ =	swait.ge [sflag:s22], $0x3E80  }
0x3f: {  	[sflag:s22] =	ssyncset.done $0x0  }
.Ltmp0:
0x40: {  	s29 =	sadd.s32 $0x15080, s28;
	[sflag:s22] =	ssyncadd.s32 $0xFFFFC180;
	(pc) =	sbr.rel @p0 .LBB2_2-.Ltmp0, $4  }
0x41: {  	[spmem:s2] =	stream.indirect.scatter.add.f32 [tilespmem:s20], [sflag:$0x3], $0x80, s29, s17, $0xb8;
	[tilespmem:$0x1E400] =	vst v63  }
0x42: {  	_ =	swait.ge [sflag:s14], $0x3E80  }
0x43: {  	[sflag:s14] =	ssyncset.done $0x0  }
0x44: {  	s28 =	sadd.s32 $0x13D80, s28;
	[sflag:s14] =	ssyncadd.s32 $0xFFFFC180  }
0x45: {  	[tilespmem:s20], [sflag:$0x2] =	stream.indirect.gather [hbm4b:s4+s17], $0x80, s28, s17, $0xb8;
	[tilespmem:$0x1E400] =	vst v63  }
0x46: {  	_ =	swait.ge [sflag:s21], $0x3E80  }
0x47: {  	[sflag:s21] =	ssyncset.done $0x0  }
0x48: {  	[sflag:s21] =	ssyncadd.s32 $0xFFFFC180  }
0x49: {  	[spmem:s2] =	stream.indirect.scatter.add.f32 [tilespmem:s18], [sflag:$0x3], $0x80, s23, s17, $0xb8;
	[tilespmem:$0x1E400] =	vst v63  }
0x4a: {  	_ =	swait.ge [sflag:s14], $0x3E80  }
0x4b: {  	[sflag:s14] =	ssyncset.done $0x0  }
0x4c: {  	[sflag:s14] =	ssyncadd.s32 $0xFFFFC180  }
0x4d: {  	_ =	swait.ge [sflag:s22], $0x3E80  }
0x4e: {  	[sflag:s22] =	ssyncset.done $0x0  }
0x4f: {  	[sflag:s22] =	ssyncadd.s32 $0xFFFFC180  }
0x50: {  	[spmem:s2] =	stream.indirect.scatter.add.f32 [tilespmem:s20], [sflag:$0x3], $0x80, s24, s17, $0xb8;
	[tilespmem:$0x1E400] =	vst v63  }
0x51: {  	_ =	swait.ge [sflag:s14], $0x3E80  }
0x52: {  	[sflag:s14] =	ssyncset.done $0x0  }
0x53: {  	s26 =	simm.s32 $0x0;
	[sflag:s14] =	ssyncadd.s32 $0xFFFFC180  }
0x54: {  	[tilespmem:s15], [sflag:$0x3] =	stream.linear.gather [hbm4b:s9+s26], $0x1400, $0x38;
	[tilespmem:$0x1E400] =	vst v63  }
0x55: {  	_ =	swait.ge [sflag:s14], $0x1400  }
0x56: {  	[sflag:s14] =	ssyncset.done $0x0  }
0x57: {  	[sflag:s14] =	ssyncadd.s32 $0xFFFFEC00  }
0x58: {  	[tilespmem:s16], [sflag:$0x3] =	stream.linear.gather [hbm4b:s10+s26], $0x1400, $0x38;
	[tilespmem:$0x1E400] =	vst v63  }
0x59: {  	_ =	swait.ge [sflag:s14], $0x1400  }
0x5a: {  	[sflag:s14] =	ssyncset.done $0x0  }
0x5b: {  	[sflag:s14] =	ssyncadd.s32 $0xFFFFEC00  }
0x5c: {  	[tilespmem:s18], [sflag:$0x1] =	stream.indirect.gather [hbm4b:s4+s17], $0x80, s15, s17, $0xb8;
	[tilespmem:$0x1E400] =	vst v63  }
0x5d: {  	_ = 	snop  }
0x5e: {  	[tilespmem:s20], [sflag:$0x2] =	stream.indirect.gather [hbm4b:s4+s17], $0x80, s19, s17, $0xb8;
	[tilespmem:$0x1E400] =	vst v63  }
0x5f: {  	_ =	swait.ge [sflag:s21], $0x3E80  }
0x60: {  	[sflag:s21] =	ssyncset.done $0x0  }
0x61: {  	s29 =	simm.s32 $0x15000;
	[sflag:s21] =	ssyncadd.s32 $0xFFFFC180  }
0x62: {  	[spmem:s2] =	stream.indirect.scatter.add.f32 [tilespmem:s18], [sflag:$0x3], $0x80, s29, s17, $0xb8;
	[tilespmem:$0x1E400] =	vst v63  }
0x63: {  	_ =	swait.ge [sflag:s14], $0x3E80  }
0x64: {  	[sflag:s14] =	ssyncset.done $0x0  }
0x65: {  	s30 =	simm.s32 $0x13D00;
	[sflag:s14] =	ssyncadd.s32 $0xFFFFC180  }
0x66: {  	[tilespmem:s18], [sflag:$0x1] =	stream.indirect.gather [hbm4b:s4+s17], $0x80, s30, s17, $0xb8;
	[tilespmem:$0x1E400] =	vst v63  }
0x67: {  	_ =	swait.ge [sflag:s22], $0x3E80  }
0x68: {  	[sflag:s22] =	ssyncset.done $0x0  }
0x69: {  	s31 =	simm.s32 $0x15080;
	[sflag:s22] =	ssyncadd.s32 $0xFFFFC180  }
0x6a: {  	[spmem:s2] =	stream.indirect.scatter.add.f32 [tilespmem:s20], [sflag:$0x3], $0x80, s31, s17, $0xb8;
	[tilespmem:$0x1E400] =	vst v63  }
0x6b: {  	_ =	swait.ge [sflag:s14], $0x3E80  }
0x6c: {  	[sflag:s14] =	ssyncset.done $0x0  }
0x6d: {  	s28 =	simm.s32 $0x13D80;
	s26 =	simm.s32 $0x400;
	[sflag:s14] =	ssyncadd.s32 $0xFFFFC180  }
.LBB2_4:
0x6e: {  	[tilespmem:s20], [sflag:$0x2] =	stream.indirect.gather [hbm4b:s4+s17], $0x80, s28, s17, $0xb8;
	[tilespmem:$0x1E400] =	vst v63  }
0x6f: {  	s28 =	smov.u32 s26  }
0x70: {  	p0 =	sne.s32 s26, $0x4800;
	s26 =	sadd.s32 $0x400, s26;
	_ =	swait.ge [sflag:s21], $0x3E80  }
0x71: {  	s28 =	sshra.s32 s28, $0x2;
	[sflag:s21] =	ssyncset.done $0x0  }
0x72: {  	s29 =	sadd.s32 $0x15000, s28;
	[sflag:s21] =	ssyncadd.s32 $0xFFFFC180  }
0x73: {  	[spmem:s2] =	stream.indirect.scatter.add.f32 [tilespmem:s18], [sflag:$0x3], $0x80, s29, s17, $0xb8;
	[tilespmem:$0x1E400] =	vst v63  }
0x74: {  	_ =	swait.ge [sflag:s14], $0x3E80  }
0x75: {  	[sflag:s14] =	ssyncset.done $0x0  }
0x76: {  	s29 =	sadd.s32 $0x13D00, s28;
	[sflag:s14] =	ssyncadd.s32 $0xFFFFC180  }
0x77: {  	[tilespmem:s18], [sflag:$0x1] =	stream.indirect.gather [hbm4b:s4+s17], $0x80, s29, s17, $0xb8;
	[tilespmem:$0x1E400] =	vst v63  }
0x78: {  	_ =	swait.ge [sflag:s22], $0x3E80  }
0x79: {  	[sflag:s22] =	ssyncset.done $0x0  }
.Ltmp1:
0x7a: {  	s29 =	sadd.s32 $0x15080, s28;
	[sflag:s22] =	ssyncadd.s32 $0xFFFFC180;
	(pc) =	sbr.rel @p0 .LBB2_4-.Ltmp1, $4  }
0x7b: {  	[spmem:s2] =	stream.indirect.scatter.add.f32 [tilespmem:s20], [sflag:$0x3], $0x80, s29, s17, $0xb8;
	[tilespmem:$0x1E400] =	vst v63  }
0x7c: {  	_ =	swait.ge [sflag:s14], $0x3E80  }
0x7d: {  	[sflag:s14] =	ssyncset.done $0x0  }
0x7e: {  	s28 =	sadd.s32 $0x13D80, s28;
	[sflag:s14] =	ssyncadd.s32 $0xFFFFC180  }
0x7f: {  	[tilespmem:s20], [sflag:$0x2] =	stream.indirect.gather [hbm4b:s4+s17], $0x80, s28, s17, $0xb8;
	[tilespmem:$0x1E400] =	vst v63  }
0x80: {  	_ =	swait.ge [sflag:s21], $0x3E80  }
0x81: {  	[sflag:s21] =	ssyncset.done $0x0  }
0x82: {  	[sflag:s21] =	ssyncadd.s32 $0xFFFFC180  }
0x83: {  	[spmem:s2] =	stream.indirect.scatter.add.f32 [tilespmem:s18], [sflag:$0x3], $0x80, s23, s17, $0xb8;
	[tilespmem:$0x1E400] =	vst v63  }
0x84: {  	_ =	swait.ge [sflag:s14], $0x3E80  }
0x85: {  	[sflag:s14] =	ssyncset.done $0x0  }
0x86: {  	[sflag:s14] =	ssyncadd.s32 $0xFFFFC180  }
0x87: {  	_ =	swait.ge [sflag:s22], $0x3E80  }
0x88: {  	[sflag:s22] =	ssyncset.done $0x0  }
0x89: {  	[sflag:s22] =	ssyncadd.s32 $0xFFFFC180  }
0x8a: {  	[spmem:s2] =	stream.indirect.scatter.add.f32 [tilespmem:s20], [sflag:$0x3], $0x80, s24, s17, $0xb8;
	[tilespmem:$0x1E400] =	vst v63  }
0x8b: {  	_ =	swait.ge [sflag:s14], $0x3E80  }
0x8c: {  	s25 =	sadd.s32 $0x1, s25;
	[sflag:s14] =	ssyncset.done $0x0  }
0x8d: {  	p0 =	sne.s32 s25, s12;
	[sflag:s14] =	ssyncadd.s32 $0xFFFFC180  }
.Ltmp2:
0x8e: {  	[bflag:$0x0] =	sbarrier.arrive $0xFFFF;
	(pc) =	sbr.rel @p0 .LBB2_1-.Ltmp2, $4  }
0x8f: {  	[hbm:s11], [sflag:s6] =	dma.local [spmem:s13], $0x2780  }
0x90: {  	_ =	swait.ge [sflag:s14], $0x2780  }
0x91: {  	[sflag:s14] =	ssyncset.done $0x0  }
0x92: {  	[sflag:s14] =	ssyncadd.s32 $0xFFFFD880  }
0x93: {  	_ =	sfence.sel $0x180000  }
0x94: {  	[bflag:$0x0] =	sbarrier.arrive $0xFFFF  }
0x95: {  	p0 =	sne.s32 s1, $0x0;
	_ =	strace $0x9000004A  }
0x96: {  	s0 =	sadd.s32 @!p0 $0x100000, s0;
	[bflag:$0x2] =	sbarrier.arrive $0xFFFF  }
0x97: {  	[sflag:s0] =	ssyncadd.tile.s32 @!p0 $0x1;
	_ =	shalt  }
.Lfunc_end2:
_tile_overlayer_lowered:
.L_overlay_start_2:
0x98: {  	(tag) =	ssettag $0x2  }
0x99: {  	s0 =	rddreg [dreg:$0x0];
	s2 =	stileid.u32  }
0x9a: {  	s1 =	rddreg [dreg:$0x1];
	p0 =	sne.s32 s2, $0x0  }
0x9b: {  	s3 =	rddreg [dreg:$0x2];
	[bflag:$0x3] =	sbarrier.arrive $0xFFFF;
	s2 =	simm.s32 @!p0 $0x1C03  }
0x9c: {  	[timem:s3], [sflag:s2] =	dma.local @!p0 [hbm:s0], s1  }
0x9d: {  	s0 =	simm.s32 @!p0 $0x3  }
0x9e: {  	_ =	swait.ge @!p0 [sflag:s0], s1  }
0x9f: {  	s1 =	ssub.s32 @!p0 $0x0, s1;
	[sflag:s0] =	ssyncset.done @!p0 $0x0  }
0xa0: {  	[sflag:s0] =	ssyncadd.s32 @!p0 s1  }
0xa1: {  	[bflag:$0x3] =	sbarrier.arrive $0xFFFF  }
0xa2: {  	_ =	shalt  }

</sc_bundles>
